<compile_context>
chip_gen: v7x
topology: tpu7x:2x2x1
jax: 0.10.2.dev20260603
libtpu: 0.0.44.dev20260713+nightly
codegen_flags: <defaults>
</compile_context>

<pallas_src>
import functools

import jax
import jax.numpy as jnp
from jax import lax
from jax.experimental import pallas as pl
from jax.experimental.pallas import tpu as pltpu
from jax.experimental.pallas import tpu_sc as plsc

_COLS = 4096


def _argmin_block(e2_ref, z2_ref, iota_ref, emb_ref, zb_ref, idx_ref):
    emb = emb_ref[...]
    zb = zb_ref[...] * jnp.bfloat16(-2.0)
    dot_m2 = lax.dot_general(
        emb.astype(jnp.bfloat16), zb,
        (((1,), (1,)), ((), ())), preferred_element_type=jnp.float32,
    )
    ncodes, cols = dot_m2.shape
    e2 = e2_ref[...]
    iota = iota_ref[...]
    z2b = jnp.broadcast_to(z2_ref[...], (8, cols))
    val = jnp.full((8, cols), jnp.inf, jnp.float32)
    idxv = jnp.zeros((8, cols), jnp.float32)
    for k in range(ncodes // 8):
        sl = slice(8 * k, 8 * k + 8)
        distk = (z2b + e2[sl]) + dot_m2[sl, :]
        idxv = jnp.where(distk < val, jnp.broadcast_to(iota[sl], (8, cols)),
                         idxv)
        val = jnp.minimum(val, distk)
    m = jnp.min(val, axis=0, keepdims=True)
    idx_f = jnp.min(jnp.where(val == m, idxv, float(ncodes)),
                    axis=0, keepdims=True)
    idx = idx_f.astype(jnp.int32)
    idx_ref[...] = idx.reshape(idx.shape[1] // 128, 128)


def _compute_indices(z, embedding):
    n, d = z.shape
    ncodes = embedding.shape[0]
    z2 = jnp.sum(z ** 2, axis=1)[None, :]
    e2 = jnp.sum(embedding ** 2, axis=1)[:, None]
    iota_col = jnp.arange(ncodes, dtype=jnp.float32)[:, None]
    zb = z.astype(jnp.bfloat16)
    rows_per_blk = _COLS // 128
    idx2 = pl.pallas_call(
        _argmin_block,
        grid=(n // _COLS,),
        in_specs=[
            pl.BlockSpec((ncodes, 1), lambda i: (0, 0)),
            pl.BlockSpec((1, _COLS), lambda i: (0, i)),
            pl.BlockSpec((ncodes, 1), lambda i: (0, 0)),
            pl.BlockSpec((ncodes, d), lambda i: (0, 0)),
            pl.BlockSpec((_COLS, d), lambda i: (i, 0)),
        ],
        out_specs=pl.BlockSpec((rows_per_blk, 128), lambda i: (i, 0)),
        out_shape=jax.ShapeDtypeStruct((n // 128, 128), jnp.int32),
    )(e2, z2, iota_col, embedding, zb)
    return idx2.reshape(n)


@functools.lru_cache(maxsize=None)
def _make_gather(n, d, b_per_w):
    mesh = plsc.VectorSubcoreMesh(core_axis_name="c", subcore_axis_name="s")

    @functools.partial(
        pl.kernel, mesh=mesh,
        out_type=jax.ShapeDtypeStruct((n, d), jnp.float32),
        compiler_params=pltpu.CompilerParams(use_tc_tiling_on_sc=False),
        scratch_types=[
            pltpu.VMEM((b_per_w,), jnp.int32),
            pltpu.VMEM((b_per_w, d), jnp.float32),
            pltpu.SemaphoreType.DMA,
        ],
    )
    def gather(table_hbm, idx_hbm, out_hbm, idx_v, rows_v, sem):
        wid = lax.axis_index("s") * 2 + lax.axis_index("c")
        base = wid * b_per_w
        pltpu.sync_copy(idx_hbm.at[pl.ds(base, b_per_w)], idx_v)
        pltpu.async_copy(table_hbm.at[idx_v], rows_v, sem).wait()
        pltpu.sync_copy(rows_v, out_hbm.at[pl.ds(base, b_per_w)])

    return gather


def kernel(z, embedding):
    n, d = z.shape
    idx = _compute_indices(z, embedding)
    table = embedding.astype(jnp.bfloat16).astype(jnp.float32)
    return _make_gather(n, d, n // 32)(table, idx)

# --- scband reference (transcript-rebuilt; emitter-appended) ---
"""Pipeline reference for scband-imag-behavior-73177652789583 (READ-ONLY COPY).

The authoritative reference and input builder live on the scoring server;
editing this copy changes nothing except your own understanding.
"""

import jax, jax.numpy as jnp
import numpy as np


def setup_inputs(seed: int = 0) -> dict:
    key = jax.random.key(seed)
    k1, k2 = jax.random.split(key)
    # z corresponds to latent_action_cur = imitation_net(feat_ori), flattened over
    # (imag_horizon * batch_size * batch_length) rollout tokens.
    z = jax.random.normal(k1, (65536, 32), dtype=jnp.float32)
    # embedding corresponds to world_model.latent_action_net.quantizer.embedding.weight
    # with num_latent_action=1024 codes of latent_action_dim=32.
    embedding = jax.random.normal(k2, (1024, 32), dtype=jnp.float32) * 0.02
    return {"z": z, "embedding": embedding}


def reference(z, embedding):
    # distances = ||z||^2 + ||e||^2 - 2 z e^T   (faithful to the torch code)
    distances = (
        jnp.sum(z ** 2, axis=1, keepdims=True)
        + jnp.sum(embedding ** 2, axis=1)
        - 2.0 * jnp.matmul(z, embedding.T)
    )
    encoding_indices = jnp.argmin(distances, axis=1)
    # one-hot via scatter-overwrite, mirroring torch.scatter(encodings, 1, idx, 1)
    encodings = jnp.zeros((z.shape[0], embedding.shape[0]), dtype=z.dtype)
    encodings = encodings.at[jnp.arange(z.shape[0]), encoding_indices].set(1.0)
    quantized = jnp.matmul(encodings, embedding)
    # straight-through estimator: z + (quantized - z).detach()
    quantized_st = z + jax.lax.stop_gradient(quantized - z)
    return quantized_st

if __name__ == "__main__":
    import jax
    _d = setup_inputs()
    print(jax.jit(kernel)(*tuple(_d.values())))

</pallas_src>

<mosaic_0001>
#map = affine_map<(d0, d1) -> (0, 0)>
#map1 = affine_map<(d0, d1) -> (0)>
module attributes {stable_mosaic.version = 14 : i64} {
  func.func @gather(%arg0: i32, %arg1: i32, %arg2: memref<1024x32xf32, #tpu.memory_space<hbm>>, %arg3: memref<65536xi32, #tpu.memory_space<hbm>>, %arg4: memref<65536x32xf32, #tpu.memory_space<hbm>>, %arg5: memref<2048xi32, #tpu.memory_space<vmem>>, %arg6: memref<2048x32xf32, #tpu.memory_space<vmem>>, %arg7: memref<!tpu.dma_semaphore, #tpu.memory_space<semaphore_mem>>) attributes {dimension_semantics = [#tpu.dimension_semantics<core_parallel>, #tpu.dimension_semantics<subcore_parallel>], iteration_bounds = array<i64: 2, 16>, scalar_prefetch = 0 : i64, scratch_operands = 3 : i64, tpu.core_type = #tpu.core_type<sc_vector_subcore>, window_params = [{transform_indices = #map}, {transform_indices = #map1}, {transform_indices = #map}]} {
    %mul3A = arith.constant 2 : i32
    %mul3A_0 = arith.muli %arg1, %mul3A : i32
    %add3A = arith.addi %mul3A_0, %arg0 : i32
    %mul3A_1 = arith.constant 2048 : i32
    %mul3A_2 = arith.muli %add3A, %mul3A_1 : i32
    "tpu.region"() ({
      %run_scoped3A = tpu.sem_alloc : memref<!tpu.dma_semaphore, #tpu.memory_space<semaphore_mem>>
      %dma_start3A_7 = tpu.memref_slice %arg3[%mul3A_2] : memref<65536xi32, #tpu.memory_space<hbm>> -> memref<2048xi32, #tpu.memory_space<hbm>>
      %dma_start3A_8 = tpu.memref_slice %arg3[%mul3A_2] : memref<65536xi32, #tpu.memory_space<hbm>> -> memref<2048xi32, #tpu.memory_space<hbm>>
      tpu.enqueue_dma source(%dma_start3A_8 : memref<2048xi32, #tpu.memory_space<hbm>>) target(%arg5 : memref<2048xi32, #tpu.memory_space<vmem>>) target_semaphore(%run_scoped3A : memref<!tpu.dma_semaphore, #tpu.memory_space<semaphore_mem>>)
      %dma_wait3A_9 = tpu.memref_slice %arg3[%mul3A_2] : memref<65536xi32, #tpu.memory_space<hbm>> -> memref<2048xi32, #tpu.memory_space<hbm>>
      %dma_wait3A_10 = tpu.memref_slice %arg3[%mul3A_2] : memref<65536xi32, #tpu.memory_space<hbm>> -> memref<2048xi32, #tpu.memory_space<hbm>>
      tpu.wait_dma2 semaphore(%run_scoped3A : memref<!tpu.dma_semaphore, #tpu.memory_space<semaphore_mem>>) src(%dma_wait3A_10 : memref<2048xi32, #tpu.memory_space<hbm>>) dst(%arg5 : memref<2048xi32, #tpu.memory_space<vmem>>)
      tpu.yield
    }) : () -> ()
    %dma_start3A = arith.constant 0 : i32
    %dma_start3A_3 = arith.constant 0 : i32
    %dma_start3A_4 = tpu.memref_slice %arg2[%dma_start3A, %dma_start3A_3] : memref<1024x32xf32, #tpu.memory_space<hbm>> -> memref<1024x32xf32, #tpu.memory_space<hbm>>
    tpu.enqueue_indirect_dma source(%dma_start3A_4 : memref<1024x32xf32, #tpu.memory_space<hbm>>) target(%arg6 : memref<2048x32xf32, #tpu.memory_space<vmem>>) offsets(%arg5 : memref<2048xi32, #tpu.memory_space<vmem>>) semaphore(%arg7 : memref<!tpu.dma_semaphore, #tpu.memory_space<semaphore_mem>>)
    %dma_wait3A = arith.constant 0 : i32
    %dma_wait3A_5 = arith.constant 0 : i32
    %dma_wait3A_6 = tpu.memref_slice %arg2[%dma_wait3A, %dma_wait3A_5] : memref<1024x32xf32, #tpu.memory_space<hbm>> -> memref<1024x32xf32, #tpu.memory_space<hbm>>
    tpu.wait_indirect_dma semaphore(%arg7 : memref<!tpu.dma_semaphore, #tpu.memory_space<semaphore_mem>>) src(%dma_wait3A_6 : memref<1024x32xf32, #tpu.memory_space<hbm>>) dst(%arg6 : memref<2048x32xf32, #tpu.memory_space<vmem>>)
    "tpu.region"() ({
      %run_scoped3A = tpu.sem_alloc : memref<!tpu.dma_semaphore, #tpu.memory_space<semaphore_mem>>
      %dma_start3A_7 = arith.constant 0 : i32
      %dma_start3A_8 = tpu.memref_slice %arg4[%mul3A_2, %dma_start3A_7] : memref<65536x32xf32, #tpu.memory_space<hbm>> -> memref<2048x32xf32, #tpu.memory_space<hbm>>
      %dma_start3A_9 = arith.constant 0 : i32
      %dma_start3A_10 = tpu.memref_slice %arg4[%mul3A_2, %dma_start3A_9] : memref<65536x32xf32, #tpu.memory_space<hbm>> -> memref<2048x32xf32, #tpu.memory_space<hbm>>
      tpu.enqueue_dma source(%arg6 : memref<2048x32xf32, #tpu.memory_space<vmem>>) target(%dma_start3A_10 : memref<2048x32xf32, #tpu.memory_space<hbm>>) target_semaphore(%run_scoped3A : memref<!tpu.dma_semaphore, #tpu.memory_space<semaphore_mem>>)
      %dma_wait3A_11 = arith.constant 0 : i32
      %dma_wait3A_12 = tpu.memref_slice %arg4[%mul3A_2, %dma_wait3A_11] : memref<65536x32xf32, #tpu.memory_space<hbm>> -> memref<2048x32xf32, #tpu.memory_space<hbm>>
      %dma_wait3A_13 = arith.constant 0 : i32
      %dma_wait3A_14 = tpu.memref_slice %arg4[%mul3A_2, %dma_wait3A_13] : memref<65536x32xf32, #tpu.memory_space<hbm>> -> memref<2048x32xf32, #tpu.memory_space<hbm>>
      tpu.wait_dma2 semaphore(%run_scoped3A : memref<!tpu.dma_semaphore, #tpu.memory_space<semaphore_mem>>) src(%arg6 : memref<2048x32xf32, #tpu.memory_space<vmem>>) dst(%dma_wait3A_14 : memref<2048x32xf32, #tpu.memory_space<hbm>>)
      tpu.yield
    }) : () -> ()
    return
  }
}

module attributes {stable_mosaic.version = 14 : i64} {
  func.func @_argmin_block(%arg0: i32, %arg1: memref<1024x1xf32, #tpu.memory_space<vmem>>, %arg2: memref<1x4096xf32, #tpu.memory_space<vmem>>, %arg3: memref<1024x1xf32, #tpu.memory_space<vmem>>, %arg4: memref<1024x32xf32, #tpu.memory_space<vmem>>, %arg5: memref<4096x32xbf16, #tpu.memory_space<vmem>>, %arg6: memref<32x128xi32, #tpu.memory_space<vmem>>) attributes {dimension_semantics = [#tpu.dimension_semantics<arbitrary>], iteration_bounds = array<i64: 16>, scalar_prefetch = 0 : i64, scratch_operands = 0 : i64, tpu.core_type = #tpu.core_type<tc>, window_params = [{pipeline_mode = #tpu.pipeline_mode<synchronous>, transform_indices = @transform_0, window_bounds = array<i64: 1024, 1>}, {transform_indices = @transform_1, window_bounds = array<i64: 1, 4096>}, {pipeline_mode = #tpu.pipeline_mode<synchronous>, transform_indices = @transform_2, window_bounds = array<i64: 1024, 1>}, {pipeline_mode = #tpu.pipeline_mode<synchronous>, transform_indices = @transform_3, window_bounds = array<i64: 1024, 32>}, {transform_indices = @transform_4, window_bounds = array<i64: 4096, 32>}, {transform_indices = @transform_5, window_bounds = array<i64: 32, 128>}]} {
    %get3A = arith.constant 0 : index
    %get3A_0 = arith.constant 0 : index
    %get3A_1 = vector.load %arg4[%get3A, %get3A_0] : memref<1024x32xf32, #tpu.memory_space<vmem>>, vector<1024x32xf32>
    %get3A_2 = arith.constant 0 : index
    %get3A_3 = arith.constant 0 : index
    %get3A_4 = vector.load %arg5[%get3A_2, %get3A_3] : memref<4096x32xbf16, #tpu.memory_space<vmem>>, vector<4096x32xbf16>
    %mul3A = arith.constant -2.000000e+00 : bf16
    %mul3A_5 = vector.broadcast %mul3A : bf16 to vector<4096x32xbf16>
    %mul3A_6 = arith.mulf %get3A_4, %mul3A_5 : vector<4096x32xbf16>
    %convert_element_type3A = arith.truncf %get3A_1 : vector<1024x32xf32> to vector<1024x32xbf16>
    %dot_general3A = arith.constant dense<0.000000e+00> : vector<1024x4096xf32>
    %dot_general3A_7 = tpu.matmul %convert_element_type3A, %mul3A_6, %dot_general3A {dimension_numbers = #tpu.dot_dimension_numbers<[1], [1], [0], [0], [0, 0, 1, 0], [], []>, transpose_lhs_hint = false} : vector<1024x32xbf16>, vector<4096x32xbf16>, vector<1024x4096xf32> -> vector<1024x4096xf32>
    %get3A_8 = arith.constant 0 : index
    %get3A_9 = arith.constant 0 : index
    %get3A_10 = vector.load %arg1[%get3A_8, %get3A_9] : memref<1024x1xf32, #tpu.memory_space<vmem>>, vector<1024x1xf32>
    %get3A_11 = arith.constant 0 : index
    %get3A_12 = arith.constant 0 : index
    %get3A_13 = vector.load %arg3[%get3A_11, %get3A_12] : memref<1024x1xf32, #tpu.memory_space<vmem>>, vector<1024x1xf32>
    %get3A_14 = arith.constant 0 : index
    %get3A_15 = arith.constant 0 : index
    %get3A_16 = vector.load %arg2[%get3A_14, %get3A_15] : memref<1x4096xf32, #tpu.memory_space<vmem>>, vector<1x4096xf32>
    %broadcast_in_dim3A = vector.shape_cast %get3A_16 : vector<1x4096xf32> to vector<1x4096xf32>
    %broadcast_in_dim3A_17 = vector.broadcast %broadcast_in_dim3A : vector<1x4096xf32> to vector<8x4096xf32>
    %broadcast_in_dim3A_18 = arith.constant 0x7F800000 : f32
    %broadcast_in_dim3A_19 = vector.broadcast %broadcast_in_dim3A_18 : f32 to vector<8x4096xf32>
    %broadcast_in_dim3A_20 = arith.constant 0.000000e+00 : f32
    %broadcast_in_dim3A_21 = vector.broadcast %broadcast_in_dim3A_20 : f32 to vector<8x4096xf32>
    %slice3A = vector.extract_strided_slice %get3A_10 {offsets = [0, 0], sizes = [8, 1], strides = [1, 1]} : vector<1024x1xf32> to vector<8x1xf32>
    %add3A = vector.broadcast %slice3A : vector<8x1xf32> to vector<8x4096xf32>
    %add3A_22 = arith.addf %broadcast_in_dim3A_17, %add3A : vector<8x4096xf32>
    %slice3A_23 = vector.extract_strided_slice %dot_general3A_7 {offsets = [0, 0], sizes = [8, 4096], strides = [1, 1]} : vector<1024x4096xf32> to vector<8x4096xf32>
    %add3A_24 = arith.addf %add3A_22, %slice3A_23 : vector<8x4096xf32>
    %lt3A = arith.cmpf olt, %add3A_24, %broadcast_in_dim3A_19 : vector<8x4096xf32>
    %slice3A_25 = vector.extract_strided_slice %get3A_13 {offsets = [0, 0], sizes = [8, 1], strides = [1, 1]} : vector<1024x1xf32> to vector<8x1xf32>
    %broadcast_in_dim3A_26 = vector.shape_cast %slice3A_25 : vector<8x1xf32> to vector<8x1xf32>
    %broadcast_in_dim3A_27 = vector.broadcast %broadcast_in_dim3A_26 : vector<8x1xf32> to vector<8x4096xf32>
    %select_n3A = arith.select %lt3A, %broadcast_in_dim3A_27, %broadcast_in_dim3A_21 : vector<8x4096xi1>, vector<8x4096xf32>
    %min3A = arith.minimumf %broadcast_in_dim3A_19, %add3A_24 : vector<8x4096xf32>
    %slice3A_28 = vector.extract_strided_slice %get3A_10 {offsets = [8, 0], sizes = [8, 1], strides = [1, 1]} : vector<1024x1xf32> to vector<8x1xf32>
    %add3A_29 = vector.broadcast %slice3A_28 : vector<8x1xf32> to vector<8x4096xf32>
    %add3A_30 = arith.addf %broadcast_in_dim3A_17, %add3A_29 : vector<8x4096xf32>
    %slice3A_31 = vector.extract_strided_slice %dot_general3A_7 {offsets = [8, 0], sizes = [8, 4096], strides = [1, 1]} : vector<1024x4096xf32> to vector<8x4096xf32>
    %add3A_32 = arith.addf %add3A_30, %slice3A_31 : vector<8x4096xf32>
    %lt3A_33 = arith.cmpf olt, %add3A_32, %min3A : vector<8x4096xf32>
    %slice3A_34 = vector.extract_strided_slice %get3A_13 {offsets = [8, 0], sizes = [8, 1], strides = [1, 1]} : vector<1024x1xf32> to vector<8x1xf32>
    %broadcast_in_dim3A_35 = vector.shape_cast %slice3A_34 : vector<8x1xf32> to vector<8x1xf32>
    %broadcast_in_dim3A_36 = vector.broadcast %broadcast_in_dim3A_35 : vector<8x1xf32> to vector<8x4096xf32>
    %select_n3A_37 = arith.select %lt3A_33, %broadcast_in_dim3A_36, %select_n3A : vector<8x4096xi1>, vector<8x4096xf32>
    %min3A_38 = arith.minimumf %min3A, %add3A_32 : vector<8x4096xf32>
    %slice3A_39 = vector.extract_strided_slice %get3A_10 {offsets = [16, 0], sizes = [8, 1], strides = [1, 1]} : vector<1024x1xf32> to vector<8x1xf32>
    %add3A_40 = vector.broadcast %slice3A_39 : vector<8x1xf32> to vector<8x4096xf32>
    %add3A_41 = arith.addf %broadcast_in_dim3A_17, %add3A_40 : vector<8x4096xf32>
    %slice3A_42 = vector.extract_strided_slice %dot_general3A_7 {offsets = [16, 0], sizes = [8, 4096], strides = [1, 1]} : vector<1024x4096xf32> to vector<8x4096xf32>
    %add3A_43 = arith.addf %add3A_41, %slice3A_42 : vector<8x4096xf32>
    %lt3A_44 = arith.cmpf olt, %add3A_43, %min3A_38 : vector<8x4096xf32>
    %slice3A_45 = vector.extract_strided_slice %get3A_13 {offsets = [16, 0], sizes = [8, 1], strides = [1, 1]} : vector<1024x1xf32> to vector<8x1xf32>
    %broadcast_in_dim3A_46 = vector.shape_cast %slice3A_45 : vector<8x1xf32> to vector<8x1xf32>
    %broadcast_in_dim3A_47 = vector.broadcast %broadcast_in_dim3A_46 : vector<8x1xf32> to vector<8x4096xf32>
    %select_n3A_48 = arith.select %lt3A_44, %broadcast_in_dim3A_47, %select_n3A_37 : vector<8x4096xi1>, vector<8x4096xf32>
    %min3A_49 = arith.minimumf %min3A_38, %add3A_43 : vector<8x4096xf32>
    %slice3A_50 = vector.extract_strided_slice %get3A_10 {offsets = [24, 0], sizes = [8, 1], strides = [1, 1]} : vector<1024x1xf32> to vector<8x1xf32>
    %add3A_51 = vector.broadcast %slice3A_50 : vector<8x1xf32> to vector<8x4096xf32>
    %add3A_52 = arith.addf %broadcast_in_dim3A_17, %add3A_51 : vector<8x4096xf32>
    %slice3A_53 = vector.extract_strided_slice %dot_general3A_7 {offsets = [24, 0], sizes = [8, 4096], strides = [1, 1]} : vector<1024x4096xf32> to vector<8x4096xf32>
    %add3A_54 = arith.addf %add3A_52, %slice3A_53 : vector<8x4096xf32>
    %lt3A_55 = arith.cmpf olt, %add3A_54, %min3A_49 : vector<8x4096xf32>
    %slice3A_56 = vector.extract_strided_slice %get3A_13 {offsets = [24, 0], sizes = [8, 1], strides = [1, 1]} : vector<1024x1xf32> to vector<8x1xf32>
    %broadcast_in_dim3A_57 = vector.shape_cast %slice3A_56 : vector<8x1xf32> to vector<8x1xf32>
    %broadcast_in_dim3A_58 = vector.broadcast %broadcast_in_dim3A_57 : vector<8x1xf32> to vector<8x4096xf32>
    %select_n3A_59 = arith.select %lt3A_55, %broadcast_in_dim3A_58, %select_n3A_48 : vector<8x4096xi1>, vector<8x4096xf32>
    %min3A_60 = arith.minimumf %min3A_49, %add3A_54 : vector<8x4096xf32>
    %slice3A_61 = vector.extract_strided_slice %get3A_10 {offsets = [32, 0], sizes = [8, 1], strides = [1, 1]} : vector<1024x1xf32> to vector<8x1xf32>
    %add3A_62 = vector.broadcast %slice3A_61 : vector<8x1xf32> to vector<8x4096xf32>
    %add3A_63 = arith.addf %broadcast_in_dim3A_17, %add3A_62 : vector<8x4096xf32>
    %slice3A_64 = vector.extract_strided_slice %dot_general3A_7 {offsets = [32, 0], sizes = [8, 4096], strides = [1, 1]} : vector<1024x4096xf32> to vector<8x4096xf32>
    %add3A_65 = arith.addf %add3A_63, %slice3A_64 : vector<8x4096xf32>
    %lt3A_66 = arith.cmpf olt, %add3A_65, %min3A_60 : vector<8x4096xf32>
    %slice3A_67 = vector.extract_strided_slice %get3A_13 {offsets = [32, 0], sizes = [8, 1], strides = [1, 1]} : vector<1024x1xf32> to vector<8x1xf32>
    %broadcast_in_dim3A_68 = vector.shape_cast %slice3A_67 : vector<8x1xf32> to vector<8x1xf32>
    %broadcast_in_dim3A_69 = vector.broadcast %broadcast_in_dim3A_68 : vector<8x1xf32> to vector<8x4096xf32>
    %select_n3A_70 = arith.select %lt3A_66, %broadcast_in_dim3A_69, %select_n3A_59 : vector<8x4096xi1>, vector<8x4096xf32>
    %min3A_71 = arith.minimumf %min3A_60, %add3A_65 : vector<8x4096xf32>
    %slice3A_72 = vector.extract_strided_slice %get3A_10 {offsets = [40, 0], sizes = [8, 1], strides = [1, 1]} : vector<1024x1xf32> to vector<8x1xf32>
    %add3A_73 = vector.broadcast %slice3A_72 : vector<8x1xf32> to vector<8x4096xf32>
    %add3A_74 = arith.addf %broadcast_in_dim3A_17, %add3A_73 : vector<8x4096xf32>
    %slice3A_75 = vector.extract_strided_slice %dot_general3A_7 {offsets = [40, 0], sizes = [8, 4096], strides = [1, 1]} : vector<1024x4096xf32> to vector<8x4096xf32>
    %add3A_76 = arith.addf %add3A_74, %slice3A_75 : vector<8x4096xf32>
    %lt3A_77 = arith.cmpf olt, %add3A_76, %min3A_71 : vector<8x4096xf32>
    %slice3A_78 = vector.extract_strided_slice %get3A_13 {offsets = [40, 0], sizes = [8, 1], strides = [1, 1]} : vector<1024x1xf32> to vector<8x1xf32>
    %broadcast_in_dim3A_79 = vector.shape_cast %slice3A_78 : vector<8x1xf32> to vector<8x1xf32>
    %broadcast_in_dim3A_80 = vector.broadcast %broadcast_in_dim3A_79 : vector<8x1xf32> to vector<8x4096xf32>
    %select_n3A_81 = arith.select %lt3A_77, %broadcast_in_dim3A_80, %select_n3A_70 : vector<8x4096xi1>, vector<8x4096xf32>
    %min3A_82 = arith.minimumf %min3A_71, %add3A_76 : vector<8x4096xf32>
    %slice3A_83 = vector.extract_strided_slice %get3A_10 {offsets = [48, 0], sizes = [8, 1], strides = [1, 1]} : vector<1024x1xf32> to vector<8x1xf32>
    %add3A_84 = vector.broadcast %slice3A_83 : vector<8x1xf32> to vector<8x4096xf32>
    %add3A_85 = arith.addf %broadcast_in_dim3A_17, %add3A_84 : vector<8x4096xf32>
    %slice3A_86 = vector.extract_strided_slice %dot_general3A_7 {offsets = [48, 0], sizes = [8, 4096], strides = [1, 1]} : vector<1024x4096xf32> to vector<8x4096xf32>
    %add3A_87 = arith.addf %add3A_85, %slice3A_86 : vector<8x4096xf32>
    %lt3A_88 = arith.cmpf olt, %add3A_87, %min3A_82 : vector<8x4096xf32>
    %slice3A_89 = vector.extract_strided_slice %get3A_13 {offsets = [48, 0], sizes = [8, 1], strides = [1, 1]} : vector<1024x1xf32> to vector<8x1xf32>
    %broadcast_in_dim3A_90 = vector.shape_cast %slice3A_89 : vector<8x1xf32> to vector<8x1xf32>
    %broadcast_in_dim3A_91 = vector.broadcast %broadcast_in_dim3A_90 : vector<8x1xf32> to vector<8x4096xf32>
    %select_n3A_92 = arith.select %lt3A_88, %broadcast_in_dim3A_91, %select_n3A_81 : vector<8x4096xi1>, vector<8x4096xf32>
    %min3A_93 = arith.minimumf %min3A_82, %add3A_87 : vector<8x4096xf32>
    %slice3A_94 = vector.extract_strided_slice %get3A_10 {offsets = [56, 0], sizes = [8, 1], strides = [1, 1]} : vector<1024x1xf32> to vector<8x1xf32>
    %add3A_95 = vector.broadcast %slice3A_94 : vector<8x1xf32> to vector<8x4096xf32>
    %add3A_96 = arith.addf %broadcast_in_dim3A_17, %add3A_95 : vector<8x4096xf32>
    %slice3A_97 = vector.extract_strided_slice %dot_general3A_7 {offsets = [56, 0], sizes = [8, 4096], strides = [1, 1]} : vector<1024x4096xf32> to vector<8x4096xf32>
    %add3A_98 = arith.addf %add3A_96, %slice3A_97 : vector<8x4096xf32>
    %lt3A_99 = arith.cmpf olt, %add3A_98, %min3A_93 : vector<8x4096xf32>
    %slice3A_100 = vector.extract_strided_slice %get3A_13 {offsets = [56, 0], sizes = [8, 1], strides = [1, 1]} : vector<1024x1xf32> to vector<8x1xf32>
    %broadcast_in_dim3A_101 = vector.shape_cast %slice3A_100 : vector<8x1xf32> to vector<8x1xf32>
    %broadcast_in_dim3A_102 = vector.broadcast %broadcast_in_dim3A_101 : vector<8x1xf32> to vector<8x4096xf32>
    %select_n3A_103 = arith.select %lt3A_99, %broadcast_in_dim3A_102, %select_n3A_92 : vector<8x4096xi1>, vector<8x4096xf32>
    %min3A_104 = arith.minimumf %min3A_93, %add3A_98 : vector<8x4096xf32>
    %slice3A_105 = vector.extract_strided_slice %get3A_10 {offsets = [64, 0], sizes = [8, 1], strides = [1, 1]} : vector<1024x1xf32> to vector<8x1xf32>
    %add3A_106 = vector.broadcast %slice3A_105 : vector<8x1xf32> to vector<8x4096xf32>
    %add3A_107 = arith.addf %broadcast_in_dim3A_17, %add3A_106 : vector<8x4096xf32>
    %slice3A_108 = vector.extract_strided_slice %dot_general3A_7 {offsets = [64, 0], sizes = [8, 4096], strides = [1, 1]} : vector<1024x4096xf32> to vector<8x4096xf32>
    %add3A_109 = arith.addf %add3A_107, %slice3A_108 : vector<8x4096xf32>
    %lt3A_110 = arith.cmpf olt, %add3A_109, %min3A_104 : vector<8x4096xf32>
    %slice3A_111 = vector.extract_strided_slice %get3A_13 {offsets = [64, 0], sizes = [8, 1], strides = [1, 1]} : vector<1024x1xf32> to vector<8x1xf32>
    %broadcast_in_dim3A_112 = vector.shape_cast %slice3A_111 : vector<8x1xf32> to vector<8x1xf32>
    %broadcast_in_dim3A_113 = vector.broadcast %broadcast_in_dim3A_112 : vector<8x1xf32> to vector<8x4096xf32>
    %select_n3A_114 = arith.select %lt3A_110, %broadcast_in_dim3A_113, %select_n3A_103 : vector<8x4096xi1>, vector<8x4096xf32>
    %min3A_115 = arith.minimumf %min3A_104, %add3A_109 : vector<8x4096xf32>
    %slice3A_116 = vector.extract_strided_slice %get3A_10 {offsets = [72, 0], sizes = [8, 1], strides = [1, 1]} : vector<1024x1xf32> to vector<8x1xf32>
    %add3A_117 = vector.broadcast %slice3A_116 : vector<8x1xf32> to vector<8x4096xf32>
    %add3A_118 = arith.addf %broadcast_in_dim3A_17, %add3A_117 : vector<8x4096xf32>
    %slice3A_119 = vector.extract_strided_slice %dot_general3A_7 {offsets = [72, 0], sizes = [8, 4096], strides = [1, 1]} : vector<1024x4096xf32> to vector<8x4096xf32>
    %add3A_120 = arith.addf %add3A_118, %slice3A_119 : vector<8x4096xf32>
    %lt3A_121 = arith.cmpf olt, %add3A_120, %min3A_115 : vector<8x4096xf32>
    %slice3A_122 = vector.extract_strided_slice %get3A_13 {offsets = [72, 0], sizes = [8, 1], strides = [1, 1]} : vector<1024x1xf32> to vector<8x1xf32>
    %broadcast_in_dim3A_123 = vector.shape_cast %slice3A_122 : vector<8x1xf32> to vector<8x1xf32>
    %broadcast_in_dim3A_124 = vector.broadcast %broadcast_in_dim3A_123 : vector<8x1xf32> to vector<8x4096xf32>
    %select_n3A_125 = arith.select %lt3A_121, %broadcast_in_dim3A_124, %select_n3A_114 : vector<8x4096xi1>, vector<8x4096xf32>
    %min3A_126 = arith.minimumf %min3A_115, %add3A_120 : vector<8x4096xf32>
    %slice3A_127 = vector.extract_strided_slice %get3A_10 {offsets = [80, 0], sizes = [8, 1], strides = [1, 1]} : vector<1024x1xf32> to vector<8x1xf32>
    %add3A_128 = vector.broadcast %slice3A_127 : vector<8x1xf32> to vector<8x4096xf32>
    %add3A_129 = arith.addf %broadcast_in_dim3A_17, %add3A_128 : vector<8x4096xf32>
    %slice3A_130 = vector.extract_strided_slice %dot_general3A_7 {offsets = [80, 0], sizes = [8, 4096], strides = [1, 1]} : vector<1024x4096xf32> to vector<8x4096xf32>
    %add3A_131 = arith.addf %add3A_129, %slice3A_130 : vector<8x4096xf32>
    %lt3A_132 = arith.cmpf olt, %add3A_131, %min3A_126 : vector<8x4096xf32>
    %slice3A_133 = vector.extract_strided_slice %get3A_13 {offsets = [80, 0], sizes = [8, 1], strides = [1, 1]} : vector<1024x1xf32> to vector<8x1xf32>
    %broadcast_in_dim3A_134 = vector.shape_cast %slice3A_133 : vector<8x1xf32> to vector<8x1xf32>
    %broadcast_in_dim3A_135 = vector.broadcast %broadcast_in_dim3A_134 : vector<8x1xf32> to vector<8x4096xf32>
    %select_n3A_136 = arith.select %lt3A_132, %broadcast_in_dim3A_135, %select_n3A_125 : vector<8x4096xi1>, vector<8x4096xf32>
    %min3A_137 = arith.minimumf %min3A_126, %add3A_131 : vector<8x4096xf32>
    %slice3A_138 = vector.extract_strided_slice %get3A_10 {offsets = [88, 0], sizes = [8, 1], strides = [1, 1]} : vector<1024x1xf32> to vector<8x1xf32>
    %add3A_139 = vector.broadcast %slice3A_138 : vector<8x1xf32> to vector<8x4096xf32>
    %add3A_140 = arith.addf %broadcast_in_dim3A_17, %add3A_139 : vector<8x4096xf32>
    %slice3A_141 = vector.extract_strided_slice %dot_general3A_7 {offsets = [88, 0], sizes = [8, 4096], strides = [1, 1]} : vector<1024x4096xf32> to vector<8x4096xf32>
    %add3A_142 = arith.addf %add3A_140, %slice3A_141 : vector<8x4096xf32>
    %lt3A_143 = arith.cmpf olt, %add3A_142, %min3A_137 : vector<8x4096xf32>
    %slice3A_144 = vector.extract_strided_slice %get3A_13 {offsets = [88, 0], sizes = [8, 1], strides = [1, 1]} : vector<1024x1xf32> to vector<8x1xf32>
    %broadcast_in_dim3A_145 = vector.shape_cast %slice3A_144 : vector<8x1xf32> to vector<8x1xf32>
    %broadcast_in_dim3A_146 = vector.broadcast %broadcast_in_dim3A_145 : vector<8x1xf32> to vector<8x4096xf32>
    %select_n3A_147 = arith.select %lt3A_143, %broadcast_in_dim3A_146, %select_n3A_136 : vector<8x4096xi1>, vector<8x4096xf32>
    %min3A_148 = arith.minimumf %min3A_137, %add3A_142 : vector<8x4096xf32>
    %slice3A_149 = vector.extract_strided_slice %get3A_10 {offsets = [96, 0], sizes = [8, 1], strides = [1, 1]} : vector<1024x1xf32> to vector<8x1xf32>
    %add3A_150 = vector.broadcast %slice3A_149 : vector<8x1xf32> to vector<8x4096xf32>
    %add3A_151 = arith.addf %broadcast_in_dim3A_17, %add3A_150 : vector<8x4096xf32>
    %slice3A_152 = vector.extract_strided_slice %dot_general3A_7 {offsets = [96, 0], sizes = [8, 4096], strides = [1, 1]} : vector<1024x4096xf32> to vector<8x4096xf32>
    %add3A_153 = arith.addf %add3A_151, %slice3A_152 : vector<8x4096xf32>
    %lt3A_154 = arith.cmpf olt, %add3A_153, %min3A_148 : vector<8x4096xf32>
    %slice3A_155 = vector.extract_strided_slice %get3A_13 {offsets = [96, 0], sizes = [8, 1], strides = [1, 1]} : vector<1024x1xf32> to vector<8x1xf32>
    %broadcast_in_dim3A_156 = vector.shape_cast %slice3A_155 : vector<8x1xf32> to vector<8x1xf32>
    %broadcast_in_dim3A_157 = vector.broadcast %broadcast_in_dim3A_156 : vector<8x1xf32> to vector<8x4096xf32>
    %select_n3A_158 = arith.select %lt3A_154, %broadcast_in_dim3A_157, %select_n3A_147 : vector<8x4096xi1>, vector<8x4096xf32>
    %min3A_159 = arith.minimumf %min3A_148, %add3A_153 : vector<8x4096xf32>
    %slice3A_160 = vector.extract_strided_slice %get3A_10 {offsets = [104, 0], sizes = [8, 1], strides = [1, 1]} : vector<1024x1xf32> to vector<8x1xf32>
    %add3A_161 = vector.broadcast %slice3A_160 : vector<8x1xf32> to vector<8x4096xf32>
    %add3A_162 = arith.addf %broadcast_in_dim3A_17, %add3A_161 : vector<8x4096xf32>
    %slice3A_163 = vector.extract_strided_slice %dot_general3A_7 {offsets = [104, 0], sizes = [8, 4096], strides = [1, 1]} : vector<1024x4096xf32> to vector<8x4096xf32>
    %add3A_164 = arith.addf %add3A_162, %slice3A_163 : vector<8x4096xf32>
    %lt3A_165 = arith.cmpf olt, %add3A_164, %min3A_159 : vector<8x4096xf32>
    %slice3A_166 = vector.extract_strided_slice %get3A_13 {offsets = [104, 0], sizes = [8, 1], strides = [1, 1]} : vector<1024x1xf32> to vector<8x1xf32>
    %broadcast_in_dim3A_167 = vector.shape_cast %slice3A_166 : vector<8x1xf32> to vector<8x1xf32>
    %broadcast_in_dim3A_168 = vector.broadcast %broadcast_in_dim3A_167 : vector<8x1xf32> to vector<8x4096xf32>
    %select_n3A_169 = arith.select %lt3A_165, %broadcast_in_dim3A_168, %select_n3A_158 : vector<8x4096xi1>, vector<8x4096xf32>
    %min3A_170 = arith.minimumf %min3A_159, %add3A_164 : vector<8x4096xf32>
    %slice3A_171 = vector.extract_strided_slice %get3A_10 {offsets = [112, 0], sizes = [8, 1], strides = [1, 1]} : vector<1024x1xf32> to vector<8x1xf32>
    %add3A_172 = vector.broadcast %slice3A_171 : vector<8x1xf32> to vector<8x4096xf32>
    %add3A_173 = arith.addf %broadcast_in_dim3A_17, %add3A_172 : vector<8x4096xf32>
    %slice3A_174 = vector.extract_strided_slice %dot_general3A_7 {offsets = [112, 0], sizes = [8, 4096], strides = [1, 1]} : vector<1024x4096xf32> to vector<8x4096xf32>
    %add3A_175 = arith.addf %add3A_173, %slice3A_174 : vector<8x4096xf32>
    %lt3A_176 = arith.cmpf olt, %add3A_175, %min3A_170 : vector<8x4096xf32>
    %slice3A_177 = vector.extract_strided_slice %get3A_13 {offsets = [112, 0], sizes = [8, 1], strides = [1, 1]} : vector<1024x1xf32> to vector<8x1xf32>
    %broadcast_in_dim3A_178 = vector.shape_cast %slice3A_177 : vector<8x1xf32> to vector<8x1xf32>
    %broadcast_in_dim3A_179 = vector.broadcast %broadcast_in_dim3A_178 : vector<8x1xf32> to vector<8x4096xf32>
    %select_n3A_180 = arith.select %lt3A_176, %broadcast_in_dim3A_179, %select_n3A_169 : vector<8x4096xi1>, vector<8x4096xf32>
    %min3A_181 = arith.minimumf %min3A_170, %add3A_175 : vector<8x4096xf32>
    %slice3A_182 = vector.extract_strided_slice %get3A_10 {offsets = [120, 0], sizes = [8, 1], strides = [1, 1]} : vector<1024x1xf32> to vector<8x1xf32>
    %add3A_183 = vector.broadcast %slice3A_182 : vector<8x1xf32> to vector<8x4096xf32>
    %add3A_184 = arith.addf %broadcast_in_dim3A_17, %add3A_183 : vector<8x4096xf32>
    %slice3A_185 = vector.extract_strided_slice %dot_general3A_7 {offsets = [120, 0], sizes = [8, 4096], strides = [1, 1]} : vector<1024x4096xf32> to vector<8x4096xf32>
    %add3A_186 = arith.addf %add3A_184, %slice3A_185 : vector<8x4096xf32>
    %lt3A_187 = arith.cmpf olt, %add3A_186, %min3A_181 : vector<8x4096xf32>
    %slice3A_188 = vector.extract_strided_slice %get3A_13 {offsets = [120, 0], sizes = [8, 1], strides = [1, 1]} : vector<1024x1xf32> to vector<8x1xf32>
    %broadcast_in_dim3A_189 = vector.shape_cast %slice3A_188 : vector<8x1xf32> to vector<8x1xf32>
    %broadcast_in_dim3A_190 = vector.broadcast %broadcast_in_dim3A_189 : vector<8x1xf32> to vector<8x4096xf32>
    %select_n3A_191 = arith.select %lt3A_187, %broadcast_in_dim3A_190, %select_n3A_180 : vector<8x4096xi1>, vector<8x4096xf32>
    %min3A_192 = arith.minimumf %min3A_181, %add3A_186 : vector<8x4096xf32>
    %slice3A_193 = vector.extract_strided_slice %get3A_10 {offsets = [128, 0], sizes = [8, 1], strides = [1, 1]} : vector<1024x1xf32> to vector<8x1xf32>
    %add3A_194 = vector.broadcast %slice3A_193 : vector<8x1xf32> to vector<8x4096xf32>
    %add3A_195 = arith.addf %broadcast_in_dim3A_17, %add3A_194 : vector<8x4096xf32>
    %slice3A_196 = vector.extract_strided_slice %dot_general3A_7 {offsets = [128, 0], sizes = [8, 4096], strides = [1, 1]} : vector<1024x4096xf32> to vector<8x4096xf32>
    %add3A_197 = arith.addf %add3A_195, %slice3A_196 : vector<8x4096xf32>
    %lt3A_198 = arith.cmpf olt, %add3A_197, %min3A_192 : vector<8x4096xf32>
    %slice3A_199 = vector.extract_strided_slice %get3A_13 {offsets = [128, 0], sizes = [8, 1], strides = [1, 1]} : vector<1024x1xf32> to vector<8x1xf32>
    %broadcast_in_dim3A_200 = vector.shape_cast %slice3A_199 : vector<8x1xf32> to vector<8x1xf32>
    %broadcast_in_dim3A_201 = vector.broadcast %broadcast_in_dim3A_200 : vector<8x1xf32> to vector<8x4096xf32>
    %select_n3A_202 = arith.select %lt3A_198, %broadcast_in_dim3A_201, %select_n3A_191 : vector<8x4096xi1>, vector<8x4096xf32>
    %min3A_203 = arith.minimumf %min3A_192, %add3A_197 : vector<8x4096xf32>
    %slice3A_204 = vector.extract_strided_slice %get3A_10 {offsets = [136, 0], sizes = [8, 1], strides = [1, 1]} : vector<1024x1xf32> to vector<8x1xf32>
    %add3A_205 = vector.broadcast %slice3A_204 : vector<8x1xf32> to vector<8x4096xf32>
    %add3A_206 = arith.addf %broadcast_in_dim3A_17, %add3A_205 : vector<8x4096xf32>
    %slice3A_207 = vector.extract_strided_slice %dot_general3A_7 {offsets = [136, 0], sizes = [8, 4096], strides = [1, 1]} : vector<1024x4096xf32> to vector<8x4096xf32>
    %add3A_208 = arith.addf %add3A_206, %slice3A_207 : vector<8x4096xf32>
    %lt3A_209 = arith.cmpf olt, %add3A_208, %min3A_203 : vector<8x4096xf32>
    %slice3A_210 = vector.extract_strided_slice %get3A_13 {offsets = [136, 0], sizes = [8, 1], strides = [1, 1]} : vector<1024x1xf32> to vector<8x1xf32>
    %broadcast_in_dim3A_211 = vector.shape_cast %slice3A_210 : vector<8x1xf32> to vector<8x1xf32>
    %broadcast_in_dim3A_212 = vector.broadcast %broadcast_in_dim3A_211 : vector<8x1xf32> to vector<8x4096xf32>
    %select_n3A_213 = arith.select %lt3A_209, %broadcast_in_dim3A_212, %select_n3A_202 : vector<8x4096xi1>, vector<8x4096xf32>
    %min3A_214 = arith.minimumf %min3A_203, %add3A_208 : vector<8x4096xf32>
    %slice3A_215 = vector.extract_strided_slice %get3A_10 {offsets = [144, 0], sizes = [8, 1], strides = [1, 1]} : vector<1024x1xf32> to vector<8x1xf32>
    %add3A_216 = vector.broadcast %slice3A_215 : vector<8x1xf32> to vector<8x4096xf32>
    %add3A_217 = arith.addf %broadcast_in_dim3A_17, %add3A_216 : vector<8x4096xf32>
    %slice3A_218 = vector.extract_strided_slice %dot_general3A_7 {offsets = [144, 0], sizes = [8, 4096], strides = [1, 1]} : vector<1024x4096xf32> to vector<8x4096xf32>
    %add3A_219 = arith.addf %add3A_217, %slice3A_218 : vector<8x4096xf32>
    %lt3A_220 = arith.cmpf olt, %add3A_219, %min3A_214 : vector<8x4096xf32>
    %slice3A_221 = vector.extract_strided_slice %get3A_13 {offsets = [144, 0], sizes = [8, 1], strides = [1, 1]} : vector<1024x1xf32> to vector<8x1xf32>
    %broadcast_in_dim3A_222 = vector.shape_cast %slice3A_221 : vector<8x1xf32> to vector<8x1xf32>
    %broadcast_in_dim3A_223 = vector.broadcast %broadcast_in_dim3A_222 : vector<8x1xf32> to vector<8x4096xf32>
    %select_n3A_224 = arith.select %lt3A_220, %broadcast_in_dim3A_223, %select_n3A_213 : vector<8x4096xi1>, vector<8x4096xf32>
    %min3A_225 = arith.minimumf %min3A_214, %add3A_219 : vector<8x4096xf32>
    %slice3A_226 = vector.extract_strided_slice %get3A_10 {offsets = [152, 0], sizes = [8, 1], strides = [1, 1]} : vector<1024x1xf32> to vector<8x1xf32>
    %add3A_227 = vector.broadcast %slice3A_226 : vector<8x1xf32> to vector<8x4096xf32>
    %add3A_228 = arith.addf %broadcast_in_dim3A_17, %add3A_227 : vector<8x4096xf32>
    %slice3A_229 = vector.extract_strided_slice %dot_general3A_7 {offsets = [152, 0], sizes = [8, 4096], strides = [1, 1]} : vector<1024x4096xf32> to vector<8x4096xf32>
    %add3A_230 = arith.addf %add3A_228, %slice3A_229 : vector<8x4096xf32>
    %lt3A_231 = arith.cmpf olt, %add3A_230, %min3A_225 : vector<8x4096xf32>
    %slice3A_232 = vector.extract_strided_slice %get3A_13 {offsets = [152, 0], sizes = [8, 1], strides = [1, 1]} : vector<1024x1xf32> to vector<8x1xf32>
    %broadcast_in_dim3A_233 = vector.shape_cast %slice3A_232 : vector<8x1xf32> to vector<8x1xf32>
    %broadcast_in_dim3A_234 = vector.broadcast %broadcast_in_dim3A_233 : vector<8x1xf32> to vector<8x4096xf32>
    %select_n3A_235 = arith.select %lt3A_231, %broadcast_in_dim3A_234, %select_n3A_224 : vector<8x4096xi1>, vector<8x4096xf32>
    %min3A_236 = arith.minimumf %min3A_225, %add3A_230 : vector<8x4096xf32>
    %slice3A_237 = vector.extract_strided_slice %get3A_10 {offsets = [160, 0], sizes = [8, 1], strides = [1, 1]} : vector<1024x1xf32> to vector<8x1xf32>
    %add3A_238 = vector.broadcast %slice3A_237 : vector<8x1xf32> to vector<8x4096xf32>
    %add3A_239 = arith.addf %broadcast_in_dim3A_17, %add3A_238 : vector<8x4096xf32>
    %slice3A_240 = vector.extract_strided_slice %dot_general3A_7 {offsets = [160, 0], sizes = [8, 4096], strides = [1, 1]} : vector<1024x4096xf32> to vector<8x4096xf32>
    %add3A_241 = arith.addf %add3A_239, %slice3A_240 : vector<8x4096xf32>
    %lt3A_242 = arith.cmpf olt, %add3A_241, %min3A_236 : vector<8x4096xf32>
    %slice3A_243 = vector.extract_strided_slice %get3A_13 {offsets = [160, 0], sizes = [8, 1], strides = [1, 1]} : vector<1024x1xf32> to vector<8x1xf32>
    %broadcast_in_dim3A_244 = vector.shape_cast %slice3A_243 : vector<8x1xf32> to vector<8x1xf32>
    %broadcast_in_dim3A_245 = vector.broadcast %broadcast_in_dim3A_244 : vector<8x1xf32> to vector<8x4096xf32>
    %select_n3A_246 = arith.select %lt3A_242, %broadcast_in_dim3A_245, %select_n3A_235 : vector<8x4096xi1>, vector<8x4096xf32>
    %min3A_247 = arith.minimumf %min3A_236, %add3A_241 : vector<8x4096xf32>
    %slice3A_248 = vector.extract_strided_slice %get3A_10 {offsets = [168, 0], sizes = [8, 1], strides = [1, 1]} : vector<1024x1xf32> to vector<8x1xf32>
    %add3A_249 = vector.broadcast %slice3A_248 : vector<8x1xf32> to vector<8x4096xf32>
    %add3A_250 = arith.addf %broadcast_in_dim3A_17, %add3A_249 : vector<8x4096xf32>
    %slice3A_251 = vector.extract_strided_slice %dot_general3A_7 {offsets = [168, 0], sizes = [8, 4096], strides = [1, 1]} : vector<1024x4096xf32> to vector<8x4096xf32>
    %add3A_252 = arith.addf %add3A_250, %slice3A_251 : vector<8x4096xf32>
    %lt3A_253 = arith.cmpf olt, %add3A_252, %min3A_247 : vector<8x4096xf32>
    %slice3A_254 = vector.extract_strided_slice %get3A_13 {offsets = [168, 0], sizes = [8, 1], strides = [1, 1]} : vector<1024x1xf32> to vector<8x1xf32>
    %broadcast_in_dim3A_255 = vector.shape_cast %slice3A_254 : vector<8x1xf32> to vector<8x1xf32>
    %broadcast_in_dim3A_256 = vector.broadcast %broadcast_in_dim3A_255 : vector<8x1xf32> to vector<8x4096xf32>
    %select_n3A_257 = arith.select %lt3A_253, %broadcast_in_dim3A_256, %select_n3A_246 : vector<8x4096xi1>, vector<8x4096xf32>
    %min3A_258 = arith.minimumf %min3A_247, %add3A_252 : vector<8x4096xf32>
    %slice3A_259 = vector.extract_strided_slice %get3A_10 {offsets = [176, 0], sizes = [8, 1], strides = [1, 1]} : vector<1024x1xf32> to vector<8x1xf32>
    %add3A_260 = vector.broadcast %slice3A_259 : vector<8x1xf32> to vector<8x4096xf32>
    %add3A_261 = arith.addf %broadcast_in_dim3A_17, %add3A_260 : vector<8x4096xf32>
    %slice3A_262 = vector.extract_strided_slice %dot_general3A_7 {offsets = [176, 0], sizes = [8, 4096], strides = [1, 1]} : vector<1024x4096xf32> to vector<8x4096xf32>
    %add3A_263 = arith.addf %add3A_261, %slice3A_262 : vector<8x4096xf32>
    %lt3A_264 = arith.cmpf olt, %add3A_263, %min3A_258 : vector<8x4096xf32>
    %slice3A_265 = vector.extract_strided_slice %get3A_13 {offsets = [176, 0], sizes = [8, 1], strides = [1, 1]} : vector<1024x1xf32> to vector<8x1xf32>
    %broadcast_in_dim3A_266 = vector.shape_cast %slice3A_265 : vector<8x1xf32> to vector<8x1xf32>
    %broadcast_in_dim3A_267 = vector.broadcast %broadcast_in_dim3A_266 : vector<8x1xf32> to vector<8x4096xf32>
    %select_n3A_268 = arith.select %lt3A_264, %broadcast_in_dim3A_267, %select_n3A_257 : vector<8x4096xi1>, vector<8x4096xf32>
    %min3A_269 = arith.minimumf %min3A_258, %add3A_263 : vector<8x4096xf32>
    %slice3A_270 = vector.extract_strided_slice %get3A_10 {offsets = [184, 0], sizes = [8, 1], strides = [1, 1]} : vector<1024x1xf32> to vector<8x1xf32>
    %add3A_271 = vector.broadcast %slice3A_270 : vector<8x1xf32> to vector<8x4096xf32>
    %add3A_272 = arith.addf %broadcast_in_dim3A_17, %add3A_271 : vector<8x4096xf32>
    %slice3A_273 = vector.extract_strided_slice %dot_general3A_7 {offsets = [184, 0], sizes = [8, 4096], strides = [1, 1]} : vector<1024x4096xf32> to vector<8x4096xf32>
    %add3A_274 = arith.addf %add3A_272, %slice3A_273 : vector<8x4096xf32>
    %lt3A_275 = arith.cmpf olt, %add3A_274, %min3A_269 : vector<8x4096xf32>
    %slice3A_276 = vector.extract_strided_slice %get3A_13 {offsets = [184, 0], sizes = [8, 1], strides = [1, 1]} : vector<1024x1xf32> to vector<8x1xf32>
    %broadcast_in_dim3A_277 = vector.shape_cast %slice3A_276 : vector<8x1xf32> to vector<8x1xf32>
    %broadcast_in_dim3A_278 = vector.broadcast %broadcast_in_dim3A_277 : vector<8x1xf32> to vector<8x4096xf32>
    %select_n3A_279 = arith.select %lt3A_275, %broadcast_in_dim3A_278, %select_n3A_268 : vector<8x4096xi1>, vector<8x4096xf32>
    %min3A_280 = arith.minimumf %min3A_269, %add3A_274 : vector<8x4096xf32>
    %slice3A_281 = vector.extract_strided_slice %get3A_10 {offsets = [192, 0], sizes = [8, 1], strides = [1, 1]} : vector<1024x1xf32> to vector<8x1xf32>
    %add3A_282 = vector.broadcast %slice3A_281 : vector<8x1xf32> to vector<8x4096xf32>
    %add3A_283 = arith.addf %broadcast_in_dim3A_17, %add3A_282 : vector<8x4096xf32>
    %slice3A_284 = vector.extract_strided_slice %dot_general3A_7 {offsets = [192, 0], sizes = [8, 4096], strides = [1, 1]} : vector<1024x4096xf32> to vector<8x4096xf32>
    %add3A_285 = arith.addf %add3A_283, %slice3A_284 : vector<8x4096xf32>
    %lt3A_286 = arith.cmpf olt, %add3A_285, %min3A_280 : vector<8x4096xf32>
    %slice3A_287 = vector.extract_strided_slice %get3A_13 {offsets = [192, 0], sizes = [8, 1], strides = [1, 1]} : vector<1024x1xf32> to vector<8x1xf32>
    %broadcast_in_dim3A_288 = vector.shape_cast %slice3A_287 : vector<8x1xf32> to vector<8x1xf32>
    %broadcast_in_dim3A_289 = vector.broadcast %broadcast_in_dim3A_288 : vector<8x1xf32> to vector<8x4096xf32>
    %select_n3A_290 = arith.select %lt3A_286, %broadcast_in_dim3A_289, %select_n3A_279 : vector<8x4096xi1>, vector<8x4096xf32>
    %min3A_291 = arith.minimumf %min3A_280, %add3A_285 : vector<8x4096xf32>
    %slice3A_292 = vector.extract_strided_slice %get3A_10 {offsets = [200, 0], sizes = [8, 1], strides = [1, 1]} : vector<1024x1xf32> to vector<8x1xf32>
    %add3A_293 = vector.broadcast %slice3A_292 : vector<8x1xf32> to vector<8x4096xf32>
    %add3A_294 = arith.addf %broadcast_in_dim3A_17, %add3A_293 : vector<8x4096xf32>
    %slice3A_295 = vector.extract_strided_slice %dot_general3A_7 {offsets = [200, 0], sizes = [8, 4096], strides = [1, 1]} : vector<1024x4096xf32> to vector<8x4096xf32>
    %add3A_296 = arith.addf %add3A_294, %slice3A_295 : vector<8x4096xf32>
    %lt3A_297 = arith.cmpf olt, %add3A_296, %min3A_291 : vector<8x4096xf32>
    %slice3A_298 = vector.extract_strided_slice %get3A_13 {offsets = [200, 0], sizes = [8, 1], strides = [1, 1]} : vector<1024x1xf32> to vector<8x1xf32>
    %broadcast_in_dim3A_299 = vector.shape_cast %slice3A_298 : vector<8x1xf32> to vector<8x1xf32>
    %broadcast_in_dim3A_300 = vector.broadcast %broadcast_in_dim3A_299 : vector<8x1xf32> to vector<8x4096xf32>
    %select_n3A_301 = arith.select %lt3A_297, %broadcast_in_dim3A_300, %select_n3A_290 : vector<8x4096xi1>, vector<8x4096xf32>
    %min3A_302 = arith.minimumf %min3A_291, %add3A_296 : vector<8x4096xf32>
    %slice3A_303 = vector.extract_strided_slice %get3A_10 {offsets = [208, 0], sizes = [8, 1], strides = [1, 1]} : vector<1024x1xf32> to vector<8x1xf32>
    %add3A_304 = vector.broadcast %slice3A_303 : vector<8x1xf32> to vector<8x4096xf32>
    %add3A_305 = arith.addf %broadcast_in_dim3A_17, %add3A_304 : vector<8x4096xf32>
    %slice3A_306 = vector.extract_strided_slice %dot_general3A_7 {offsets = [208, 0], sizes = [8, 4096], strides = [1, 1]} : vector<1024x4096xf32> to vector<8x4096xf32>
    %add3A_307 = arith.addf %add3A_305, %slice3A_306 : vector<8x4096xf32>
    %lt3A_308 = arith.cmpf olt, %add3A_307, %min3A_302 : vector<8x4096xf32>
    %slice3A_309 = vector.extract_strided_slice %get3A_13 {offsets = [208, 0], sizes = [8, 1], strides = [1, 1]} : vector<1024x1xf32> to vector<8x1xf32>
    %broadcast_in_dim3A_310 = vector.shape_cast %slice3A_309 : vector<8x1xf32> to vector<8x1xf32>
    %broadcast_in_dim3A_311 = vector.broadcast %broadcast_in_dim3A_310 : vector<8x1xf32> to vector<8x4096xf32>
    %select_n3A_312 = arith.select %lt3A_308, %broadcast_in_dim3A_311, %select_n3A_301 : vector<8x4096xi1>, vector<8x4096xf32>
    %min3A_313 = arith.minimumf %min3A_302, %add3A_307 : vector<8x4096xf32>
    %slice3A_314 = vector.extract_strided_slice %get3A_10 {offsets = [216, 0], sizes = [8, 1], strides = [1, 1]} : vector<1024x1xf32> to vector<8x1xf32>
    %add3A_315 = vector.broadcast %slice3A_314 : vector<8x1xf32> to vector<8x4096xf32>
    %add3A_316 = arith.addf %broadcast_in_dim3A_17, %add3A_315 : vector<8x4096xf32>
    %slice3A_317 = vector.extract_strided_slice %dot_general3A_7 {offsets = [216, 0], sizes = [8, 4096], strides = [1, 1]} : vector<1024x4096xf32> to vector<8x4096xf32>
    %add3A_318 = arith.addf %add3A_316, %slice3A_317 : vector<8x4096xf32>
    %lt3A_319 = arith.cmpf olt, %add3A_318, %min3A_313 : vector<8x4096xf32>
    %slice3A_320 = vector.extract_strided_slice %get3A_13 {offsets = [216, 0], sizes = [8, 1], strides = [1, 1]} : vector<1024x1xf32> to vector<8x1xf32>
    %broadcast_in_dim3A_321 = vector.shape_cast %slice3A_320 : vector<8x1xf32> to vector<8x1xf32>
    %broadcast_in_dim3A_322 = vector.broadcast %broadcast_in_dim3A_321 : vector<8x1xf32> to vector<8x4096xf32>
    %select_n3A_323 = arith.select %lt3A_319, %broadcast_in_dim3A_322, %select_n3A_312 : vector<8x4096xi1>, vector<8x4096xf32>
    %min3A_324 = arith.minimumf %min3A_313, %add3A_318 : vector<8x4096xf32>
    %slice3A_325 = vector.extract_strided_slice %get3A_10 {offsets = [224, 0], sizes = [8, 1], strides = [1, 1]} : vector<1024x1xf32> to vector<8x1xf32>
    %add3A_326 = vector.broadcast %slice3A_325 : vector<8x1xf32> to vector<8x4096xf32>
    %add3A_327 = arith.addf %broadcast_in_dim3A_17, %add3A_326 : vector<8x4096xf32>
    %slice3A_328 = vector.extract_strided_slice %dot_general3A_7 {offsets = [224, 0], sizes = [8, 4096], strides = [1, 1]} : vector<1024x4096xf32> to vector<8x4096xf32>
    %add3A_329 = arith.addf %add3A_327, %slice3A_328 : vector<8x4096xf32>
    %lt3A_330 = arith.cmpf olt, %add3A_329, %min3A_324 : vector<8x4096xf32>
    %slice3A_331 = vector.extract_strided_slice %get3A_13 {offsets = [224, 0], sizes = [8, 1], strides = [1, 1]} : vector<1024x1xf32> to vector<8x1xf32>
    %broadcast_in_dim3A_332 = vector.shape_cast %slice3A_331 : vector<8x1xf32> to vector<8x1xf32>
    %broadcast_in_dim3A_333 = vector.broadcast %broadcast_in_dim3A_332 : vector<8x1xf32> to vector<8x4096xf32>
    %select_n3A_334 = arith.select %lt3A_330, %broadcast_in_dim3A_333, %select_n3A_323 : vector<8x4096xi1>, vector<8x4096xf32>
    %min3A_335 = arith.minimumf %min3A_324, %add3A_329 : vector<8x4096xf32>
    %slice3A_336 = vector.extract_strided_slice %get3A_10 {offsets = [232, 0], sizes = [8, 1], strides = [1, 1]} : vector<1024x1xf32> to vector<8x1xf32>
    %add3A_337 = vector.broadcast %slice3A_336 : vector<8x1xf32> to vector<8x4096xf32>
    %add3A_338 = arith.addf %broadcast_in_dim3A_17, %add3A_337 : vector<8x4096xf32>
    %slice3A_339 = vector.extract_strided_slice %dot_general3A_7 {offsets = [232, 0], sizes = [8, 4096], strides = [1, 1]} : vector<1024x4096xf32> to vector<8x4096xf32>
    %add3A_340 = arith.addf %add3A_338, %slice3A_339 : vector<8x4096xf32>
    %lt3A_341 = arith.cmpf olt, %add3A_340, %min3A_335 : vector<8x4096xf32>
    %slice3A_342 = vector.extract_strided_slice %get3A_13 {offsets = [232, 0], sizes = [8, 1], strides = [1, 1]} : vector<1024x1xf32> to vector<8x1xf32>
    %broadcast_in_dim3A_343 = vector.shape_cast %slice3A_342 : vector<8x1xf32> to vector<8x1xf32>
    %broadcast_in_dim3A_344 = vector.broadcast %broadcast_in_dim3A_343 : vector<8x1xf32> to vector<8x4096xf32>
    %select_n3A_345 = arith.select %lt3A_341, %broadcast_in_dim3A_344, %select_n3A_334 : vector<8x4096xi1>, vector<8x4096xf32>
    %min3A_346 = arith.minimumf %min3A_335, %add3A_340 : vector<8x4096xf32>
    %slice3A_347 = vector.extract_strided_slice %get3A_10 {offsets = [240, 0], sizes = [8, 1], strides = [1, 1]} : vector<1024x1xf32> to vector<8x1xf32>
    %add3A_348 = vector.broadcast %slice3A_347 : vector<8x1xf32> to vector<8x4096xf32>
    %add3A_349 = arith.addf %broadcast_in_dim3A_17, %add3A_348 : vector<8x4096xf32>
    %slice3A_350 = vector.extract_strided_slice %dot_general3A_7 {offsets = [240, 0], sizes = [8, 4096], strides = [1, 1]} : vector<1024x4096xf32> to vector<8x4096xf32>
    %add3A_351 = arith.addf %add3A_349, %slice3A_350 : vector<8x4096xf32>
    %lt3A_352 = arith.cmpf olt, %add3A_351, %min3A_346 : vector<8x4096xf32>
    %slice3A_353 = vector.extract_strided_slice %get3A_13 {offsets = [240, 0], sizes = [8, 1], strides = [1, 1]} : vector<1024x1xf32> to vector<8x1xf32>
    %broadcast_in_dim3A_354 = vector.shape_cast %slice3A_353 : vector<8x1xf32> to vector<8x1xf32>
    %broadcast_in_dim3A_355 = vector.broadcast %broadcast_in_dim3A_354 : vector<8x1xf32> to vector<8x4096xf32>
    %select_n3A_356 = arith.select %lt3A_352, %broadcast_in_dim3A_355, %select_n3A_345 : vector<8x4096xi1>, vector<8x4096xf32>
    %min3A_357 = arith.minimumf %min3A_346, %add3A_351 : vector<8x4096xf32>
    %slice3A_358 = vector.extract_strided_slice %get3A_10 {offsets = [248, 0], sizes = [8, 1], strides = [1, 1]} : vector<1024x1xf32> to vector<8x1xf32>
    %add3A_359 = vector.broadcast %slice3A_358 : vector<8x1xf32> to vector<8x4096xf32>
    %add3A_360 = arith.addf %broadcast_in_dim3A_17, %add3A_359 : vector<8x4096xf32>
    %slice3A_361 = vector.extract_strided_slice %dot_general3A_7 {offsets = [248, 0], sizes = [8, 4096], strides = [1, 1]} : vector<1024x4096xf32> to vector<8x4096xf32>
    %add3A_362 = arith.addf %add3A_360, %slice3A_361 : vector<8x4096xf32>
    %lt3A_363 = arith.cmpf olt, %add3A_362, %min3A_357 : vector<8x4096xf32>
    %slice3A_364 = vector.extract_strided_slice %get3A_13 {offsets = [248, 0], sizes = [8, 1], strides = [1, 1]} : vector<1024x1xf32> to vector<8x1xf32>
    %broadcast_in_dim3A_365 = vector.shape_cast %slice3A_364 : vector<8x1xf32> to vector<8x1xf32>
    %broadcast_in_dim3A_366 = vector.broadcast %broadcast_in_dim3A_365 : vector<8x1xf32> to vector<8x4096xf32>
    %select_n3A_367 = arith.select %lt3A_363, %broadcast_in_dim3A_366, %select_n3A_356 : vector<8x4096xi1>, vector<8x4096xf32>
    %min3A_368 = arith.minimumf %min3A_357, %add3A_362 : vector<8x4096xf32>
    %slice3A_369 = vector.extract_strided_slice %get3A_10 {offsets = [256, 0], sizes = [8, 1], strides = [1, 1]} : vector<1024x1xf32> to vector<8x1xf32>
    %add3A_370 = vector.broadcast %slice3A_369 : vector<8x1xf32> to vector<8x4096xf32>
    %add3A_371 = arith.addf %broadcast_in_dim3A_17, %add3A_370 : vector<8x4096xf32>
    %slice3A_372 = vector.extract_strided_slice %dot_general3A_7 {offsets = [256, 0], sizes = [8, 4096], strides = [1, 1]} : vector<1024x4096xf32> to vector<8x4096xf32>
    %add3A_373 = arith.addf %add3A_371, %slice3A_372 : vector<8x4096xf32>
    %lt3A_374 = arith.cmpf olt, %add3A_373, %min3A_368 : vector<8x4096xf32>
    %slice3A_375 = vector.extract_strided_slice %get3A_13 {offsets = [256, 0], sizes = [8, 1], strides = [1, 1]} : vector<1024x1xf32> to vector<8x1xf32>
    %broadcast_in_dim3A_376 = vector.shape_cast %slice3A_375 : vector<8x1xf32> to vector<8x1xf32>
    %broadcast_in_dim3A_377 = vector.broadcast %broadcast_in_dim3A_376 : vector<8x1xf32> to vector<8x4096xf32>
    %select_n3A_378 = arith.select %lt3A_374, %broadcast_in_dim3A_377, %select_n3A_367 : vector<8x4096xi1>, vector<8x4096xf32>
    %min3A_379 = arith.minimumf %min3A_368, %add3A_373 : vector<8x4096xf32>
    %slice3A_380 = vector.extract_strided_slice %get3A_10 {offsets = [264, 0], sizes = [8, 1], strides = [1, 1]} : vector<1024x1xf32> to vector<8x1xf32>
    %add3A_381 = vector.broadcast %slice3A_380 : vector<8x1xf32> to vector<8x4096xf32>
    %add3A_382 = arith.addf %broadcast_in_dim3A_17, %add3A_381 : vector<8x4096xf32>
    %slice3A_383 = vector.extract_strided_slice %dot_general3A_7 {offsets = [264, 0], sizes = [8, 4096], strides = [1, 1]} : vector<1024x4096xf32> to vector<8x4096xf32>
    %add3A_384 = arith.addf %add3A_382, %slice3A_383 : vector<8x4096xf32>
    %lt3A_385 = arith.cmpf olt, %add3A_384, %min3A_379 : vector<8x4096xf32>
    %slice3A_386 = vector.extract_strided_slice %get3A_13 {offsets = [264, 0], sizes = [8, 1], strides = [1, 1]} : vector<1024x1xf32> to vector<8x1xf32>
    %broadcast_in_dim3A_387 = vector.shape_cast %slice3A_386 : vector<8x1xf32> to vector<8x1xf32>
    %broadcast_in_dim3A_388 = vector.broadcast %broadcast_in_dim3A_387 : vector<8x1xf32> to vector<8x4096xf32>
    %select_n3A_389 = arith.select %lt3A_385, %broadcast_in_dim3A_388, %select_n3A_378 : vector<8x4096xi1>, vector<8x4096xf32>
    %min3A_390 = arith.minimumf %min3A_379, %add3A_384 : vector<8x4096xf32>
    %slice3A_391 = vector.extract_strided_slice %get3A_10 {offsets = [272, 0], sizes = [8, 1], strides = [1, 1]} : vector<1024x1xf32> to vector<8x1xf32>
    %add3A_392 = vector.broadcast %slice3A_391 : vector<8x1xf32> to vector<8x4096xf32>
    %add3A_393 = arith.addf %broadcast_in_dim3A_17, %add3A_392 : vector<8x4096xf32>
    %slice3A_394 = vector.extract_strided_slice %dot_general3A_7 {offsets = [272, 0], sizes = [8, 4096], strides = [1, 1]} : vector<1024x4096xf32> to vector<8x4096xf32>
    %add3A_395 = arith.addf %add3A_393, %slice3A_394 : vector<8x4096xf32>
    %lt3A_396 = arith.cmpf olt, %add3A_395, %min3A_390 : vector<8x4096xf32>
    %slice3A_397 = vector.extract_strided_slice %get3A_13 {offsets = [272, 0], sizes = [8, 1], strides = [1, 1]} : vector<1024x1xf32> to vector<8x1xf32>
    %broadcast_in_dim3A_398 = vector.shape_cast %slice3A_397 : vector<8x1xf32> to vector<8x1xf32>
    %broadcast_in_dim3A_399 = vector.broadcast %broadcast_in_dim3A_398 : vector<8x1xf32> to vector<8x4096xf32>
    %select_n3A_400 = arith.select %lt3A_396, %broadcast_in_dim3A_399, %select_n3A_389 : vector<8x4096xi1>, vector<8x4096xf32>
    %min3A_401 = arith.minimumf %min3A_390, %add3A_395 : vector<8x4096xf32>
    %slice3A_402 = vector.extract_strided_slice %get3A_10 {offsets = [280, 0], sizes = [8, 1], strides = [1, 1]} : vector<1024x1xf32> to vector<8x1xf32>
    %add3A_403 = vector.broadcast %slice3A_402 : vector<8x1xf32> to vector<8x4096xf32>
    %add3A_404 = arith.addf %broadcast_in_dim3A_17, %add3A_403 : vector<8x4096xf32>
    %slice3A_405 = vector.extract_strided_slice %dot_general3A_7 {offsets = [280, 0], sizes = [8, 4096], strides = [1, 1]} : vector<1024x4096xf32> to vector<8x4096xf32>
    %add3A_406 = arith.addf %add3A_404, %slice3A_405 : vector<8x4096xf32>
    %lt3A_407 = arith.cmpf olt, %add3A_406, %min3A_401 : vector<8x4096xf32>
    %slice3A_408 = vector.extract_strided_slice %get3A_13 {offsets = [280, 0], sizes = [8, 1], strides = [1, 1]} : vector<1024x1xf32> to vector<8x1xf32>
    %broadcast_in_dim3A_409 = vector.shape_cast %slice3A_408 : vector<8x1xf32> to vector<8x1xf32>
    %broadcast_in_dim3A_410 = vector.broadcast %broadcast_in_dim3A_409 : vector<8x1xf32> to vector<8x4096xf32>
    %select_n3A_411 = arith.select %lt3A_407, %broadcast_in_dim3A_410, %select_n3A_400 : vector<8x4096xi1>, vector<8x4096xf32>
    %min3A_412 = arith.minimumf %min3A_401, %add3A_406 : vector<8x4096xf32>
    %slice3A_413 = vector.extract_strided_slice %get3A_10 {offsets = [288, 0], sizes = [8, 1], strides = [1, 1]} : vector<1024x1xf32> to vector<8x1xf32>
    %add3A_414 = vector.broadcast %slice3A_413 : vector<8x1xf32> to vector<8x4096xf32>
    %add3A_415 = arith.addf %broadcast_in_dim3A_17, %add3A_414 : vector<8x4096xf32>
    %slice3A_416 = vector.extract_strided_slice %dot_general3A_7 {offsets = [288, 0], sizes = [8, 4096], strides = [1, 1]} : vector<1024x4096xf32> to vector<8x4096xf32>
    %add3A_417 = arith.addf %add3A_415, %slice3A_416 : vector<8x4096xf32>
    %lt3A_418 = arith.cmpf olt, %add3A_417, %min3A_412 : vector<8x4096xf32>
    %slice3A_419 = vector.extract_strided_slice %get3A_13 {offsets = [288, 0], sizes = [8, 1], strides = [1, 1]} : vector<1024x1xf32> to vector<8x1xf32>
    %broadcast_in_dim3A_420 = vector.shape_cast %slice3A_419 : vector<8x1xf32> to vector<8x1xf32>
    %broadcast_in_dim3A_421 = vector.broadcast %broadcast_in_dim3A_420 : vector<8x1xf32> to vector<8x4096xf32>
    %select_n3A_422 = arith.select %lt3A_418, %broadcast_in_dim3A_421, %select_n3A_411 : vector<8x4096xi1>, vector<8x4096xf32>
    %min3A_423 = arith.minimumf %min3A_412, %add3A_417 : vector<8x4096xf32>
    %slice3A_424 = vector.extract_strided_slice %get3A_10 {offsets = [296, 0], sizes = [8, 1], strides = [1, 1]} : vector<1024x1xf32> to vector<8x1xf32>
    %add3A_425 = vector.broadcast %slice3A_424 : vector<8x1xf32> to vector<8x4096xf32>
    %add3A_426 = arith.addf %broadcast_in_dim3A_17, %add3A_425 : vector<8x4096xf32>
    %slice3A_427 = vector.extract_strided_slice %dot_general3A_7 {offsets = [296, 0], sizes = [8, 4096], strides = [1, 1]} : vector<1024x4096xf32> to vector<8x4096xf32>
    %add3A_428 = arith.addf %add3A_426, %slice3A_427 : vector<8x4096xf32>
    %lt3A_429 = arith.cmpf olt, %add3A_428, %min3A_423 : vector<8x4096xf32>
    %slice3A_430 = vector.extract_strided_slice %get3A_13 {offsets = [296, 0], sizes = [8, 1], strides = [1, 1]} : vector<1024x1xf32> to vector<8x1xf32>
    %broadcast_in_dim3A_431 = vector.shape_cast %slice3A_430 : vector<8x1xf32> to vector<8x1xf32>
    %broadcast_in_dim3A_432 = vector.broadcast %broadcast_in_dim3A_431 : vector<8x1xf32> to vector<8x4096xf32>
    %select_n3A_433 = arith.select %lt3A_429, %broadcast_in_dim3A_432, %select_n3A_422 : vector<8x4096xi1>, vector<8x4096xf32>
    %min3A_434 = arith.minimumf %min3A_423, %add3A_428 : vector<8x4096xf32>
    %slice3A_435 = vector.extract_strided_slice %get3A_10 {offsets = [304, 0], sizes = [8, 1], strides = [1, 1]} : vector<1024x1xf32> to vector<8x1xf32>
    %add3A_436 = vector.broadcast %slice3A_435 : vector<8x1xf32> to vector<8x4096xf32>
    %add3A_437 = arith.addf %broadcast_in_dim3A_17, %add3A_436 : vector<8x4096xf32>
    %slice3A_438 = vector.extract_strided_slice %dot_general3A_7 {offsets = [304, 0], sizes = [8, 4096], strides = [1, 1]} : vector<1024x4096xf32> to vector<8x4096xf32>
    %add3A_439 = arith.addf %add3A_437, %slice3A_438 : vector<8x4096xf32>
    %lt3A_440 = arith.cmpf olt, %add3A_439, %min3A_434 : vector<8x4096xf32>
    %slice3A_441 = vector.extract_strided_slice %get3A_13 {offsets = [304, 0], sizes = [8, 1], strides = [1, 1]} : vector<1024x1xf32> to vector<8x1xf32>
    %broadcast_in_dim3A_442 = vector.shape_cast %slice3A_441 : vector<8x1xf32> to vector<8x1xf32>
    %broadcast_in_dim3A_443 = vector.broadcast %broadcast_in_dim3A_442 : vector<8x1xf32> to vector<8x4096xf32>
    %select_n3A_444 = arith.select %lt3A_440, %broadcast_in_dim3A_443, %select_n3A_433 : vector<8x4096xi1>, vector<8x4096xf32>
    %min3A_445 = arith.minimumf %min3A_434, %add3A_439 : vector<8x4096xf32>
    %slice3A_446 = vector.extract_strided_slice %get3A_10 {offsets = [312, 0], sizes = [8, 1], strides = [1, 1]} : vector<1024x1xf32> to vector<8x1xf32>
    %add3A_447 = vector.broadcast %slice3A_446 : vector<8x1xf32> to vector<8x4096xf32>
    %add3A_448 = arith.addf %broadcast_in_dim3A_17, %add3A_447 : vector<8x4096xf32>
    %slice3A_449 = vector.extract_strided_slice %dot_general3A_7 {offsets = [312, 0], sizes = [8, 4096], strides = [1, 1]} : vector<1024x4096xf32> to vector<8x4096xf32>
    %add3A_450 = arith.addf %add3A_448, %slice3A_449 : vector<8x4096xf32>
    %lt3A_451 = arith.cmpf olt, %add3A_450, %min3A_445 : vector<8x4096xf32>
    %slice3A_452 = vector.extract_strided_slice %get3A_13 {offsets = [312, 0], sizes = [8, 1], strides = [1, 1]} : vector<1024x1xf32> to vector<8x1xf32>
    %broadcast_in_dim3A_453 = vector.shape_cast %slice3A_452 : vector<8x1xf32> to vector<8x1xf32>
    %broadcast_in_dim3A_454 = vector.broadcast %broadcast_in_dim3A_453 : vector<8x1xf32> to vector<8x4096xf32>
    %select_n3A_455 = arith.select %lt3A_451, %broadcast_in_dim3A_454, %select_n3A_444 : vector<8x4096xi1>, vector<8x4096xf32>
    %min3A_456 = arith.minimumf %min3A_445, %add3A_450 : vector<8x4096xf32>
    %slice3A_457 = vector.extract_strided_slice %get3A_10 {offsets = [320, 0], sizes = [8, 1], strides = [1, 1]} : vector<1024x1xf32> to vector<8x1xf32>
    %add3A_458 = vector.broadcast %slice3A_457 : vector<8x1xf32> to vector<8x4096xf32>
    %add3A_459 = arith.addf %broadcast_in_dim3A_17, %add3A_458 : vector<8x4096xf32>
    %slice3A_460 = vector.extract_strided_slice %dot_general3A_7 {offsets = [320, 0], sizes = [8, 4096], strides = [1, 1]} : vector<1024x4096xf32> to vector<8x4096xf32>
    %add3A_461 = arith.addf %add3A_459, %slice3A_460 : vector<8x4096xf32>
    %lt3A_462 = arith.cmpf olt, %add3A_461, %min3A_456 : vector<8x4096xf32>
    %slice3A_463 = vector.extract_strided_slice %get3A_13 {offsets = [320, 0], sizes = [8, 1], strides = [1, 1]} : vector<1024x1xf32> to vector<8x1xf32>
    %broadcast_in_dim3A_464 = vector.shape_cast %slice3A_463 : vector<8x1xf32> to vector<8x1xf32>
    %broadcast_in_dim3A_465 = vector.broadcast %broadcast_in_dim3A_464 : vector<8x1xf32> to vector<8x4096xf32>
    %select_n3A_466 = arith.select %lt3A_462, %broadcast_in_dim3A_465, %select_n3A_455 : vector<8x4096xi1>, vector<8x4096xf32>
    %min3A_467 = arith.minimumf %min3A_456, %add3A_461 : vector<8x4096xf32>
    %slice3A_468 = vector.extract_strided_slice %get3A_10 {offsets = [328, 0], sizes = [8, 1], strides = [1, 1]} : vector<1024x1xf32> to vector<8x1xf32>
    %add3A_469 = vector.broadcast %slice3A_468 : vector<8x1xf32> to vector<8x4096xf32>
    %add3A_470 = arith.addf %broadcast_in_dim3A_17, %add3A_469 : vector<8x4096xf32>
    %slice3A_471 = vector.extract_strided_slice %dot_general3A_7 {offsets = [328, 0], sizes = [8, 4096], strides = [1, 1]} : vector<1024x4096xf32> to vector<8x4096xf32>
    %add3A_472 = arith.addf %add3A_470, %slice3A_471 : vector<8x4096xf32>
    %lt3A_473 = arith.cmpf olt, %add3A_472, %min3A_467 : vector<8x4096xf32>
    %slice3A_474 = vector.extract_strided_slice %get3A_13 {offsets = [328, 0], sizes = [8, 1], strides = [1, 1]} : vector<1024x1xf32> to vector<8x1xf32>
    %broadcast_in_dim3A_475 = vector.shape_cast %slice3A_474 : vector<8x1xf32> to vector<8x1xf32>
    %broadcast_in_dim3A_476 = vector.broadcast %broadcast_in_dim3A_475 : vector<8x1xf32> to vector<8x4096xf32>
    %select_n3A_477 = arith.select %lt3A_473, %broadcast_in_dim3A_476, %select_n3A_466 : vector<8x4096xi1>, vector<8x4096xf32>
    %min3A_478 = arith.minimumf %min3A_467, %add3A_472 : vector<8x4096xf32>
    %slice3A_479 = vector.extract_strided_slice %get3A_10 {offsets = [336, 0], sizes = [8, 1], strides = [1, 1]} : vector<1024x1xf32> to vector<8x1xf32>
    %add3A_480 = vector.broadcast %slice3A_479 : vector<8x1xf32> to vector<8x4096xf32>
    %add3A_481 = arith.addf %broadcast_in_dim3A_17, %add3A_480 : vector<8x4096xf32>
    %slice3A_482 = vector.extract_strided_slice %dot_general3A_7 {offsets = [336, 0], sizes = [8, 4096], strides = [1, 1]} : vector<1024x4096xf32> to vector<8x4096xf32>
    %add3A_483 = arith.addf %add3A_481, %slice3A_482 : vector<8x4096xf32>
    %lt3A_484 = arith.cmpf olt, %add3A_483, %min3A_478 : vector<8x4096xf32>
    %slice3A_485 = vector.extract_strided_slice %get3A_13 {offsets = [336, 0], sizes = [8, 1], strides = [1, 1]} : vector<1024x1xf32> to vector<8x1xf32>
    %broadcast_in_dim3A_486 = vector.shape_cast %slice3A_485 : vector<8x1xf32> to vector<8x1xf32>
    %broadcast_in_dim3A_487 = vector.broadcast %broadcast_in_dim3A_486 : vector<8x1xf32> to vector<8x4096xf32>
    %select_n3A_488 = arith.select %lt3A_484, %broadcast_in_dim3A_487, %select_n3A_477 : vector<8x4096xi1>, vector<8x4096xf32>
    %min3A_489 = arith.minimumf %min3A_478, %add3A_483 : vector<8x4096xf32>
    %slice3A_490 = vector.extract_strided_slice %get3A_10 {offsets = [344, 0], sizes = [8, 1], strides = [1, 1]} : vector<1024x1xf32> to vector<8x1xf32>
    %add3A_491 = vector.broadcast %slice3A_490 : vector<8x1xf32> to vector<8x4096xf32>
    %add3A_492 = arith.addf %broadcast_in_dim3A_17, %add3A_491 : vector<8x4096xf32>
    %slice3A_493 = vector.extract_strided_slice %dot_general3A_7 {offsets = [344, 0], sizes = [8, 4096], strides = [1, 1]} : vector<1024x4096xf32> to vector<8x4096xf32>
    %add3A_494 = arith.addf %add3A_492, %slice3A_493 : vector<8x4096xf32>
    %lt3A_495 = arith.cmpf olt, %add3A_494, %min3A_489 : vector<8x4096xf32>
    %slice3A_496 = vector.extract_strided_slice %get3A_13 {offsets = [344, 0], sizes = [8, 1], strides = [1, 1]} : vector<1024x1xf32> to vector<8x1xf32>
    %broadcast_in_dim3A_497 = vector.shape_cast %slice3A_496 : vector<8x1xf32> to vector<8x1xf32>
    %broadcast_in_dim3A_498 = vector.broadcast %broadcast_in_dim3A_497 : vector<8x1xf32> to vector<8x4096xf32>
    %select_n3A_499 = arith.select %lt3A_495, %broadcast_in_dim3A_498, %select_n3A_488 : vector<8x4096xi1>, vector<8x4096xf32>
    %min3A_500 = arith.minimumf %min3A_489, %add3A_494 : vector<8x4096xf32>
    %slice3A_501 = vector.extract_strided_slice %get3A_10 {offsets = [352, 0], sizes = [8, 1], strides = [1, 1]} : vector<1024x1xf32> to vector<8x1xf32>
    %add3A_502 = vector.broadcast %slice3A_501 : vector<8x1xf32> to vector<8x4096xf32>
    %add3A_503 = arith.addf %broadcast_in_dim3A_17, %add3A_502 : vector<8x4096xf32>
    %slice3A_504 = vector.extract_strided_slice %dot_general3A_7 {offsets = [352, 0], sizes = [8, 4096], strides = [1, 1]} : vector<1024x4096xf32> to vector<8x4096xf32>
    %add3A_505 = arith.addf %add3A_503, %slice3A_504 : vector<8x4096xf32>
    %lt3A_506 = arith.cmpf olt, %add3A_505, %min3A_500 : vector<8x4096xf32>
    %slice3A_507 = vector.extract_strided_slice %get3A_13 {offsets = [352, 0], sizes = [8, 1], strides = [1, 1]} : vector<1024x1xf32> to vector<8x1xf32>
    %broadcast_in_dim3A_508 = vector.shape_cast %slice3A_507 : vector<8x1xf32> to vector<8x1xf32>
    %broadcast_in_dim3A_509 = vector.broadcast %broadcast_in_dim3A_508 : vector<8x1xf32> to vector<8x4096xf32>
    %select_n3A_510 = arith.select %lt3A_506, %broadcast_in_dim3A_509, %select_n3A_499 : vector<8x4096xi1>, vector<8x4096xf32>
    %min3A_511 = arith.minimumf %min3A_500, %add3A_505 : vector<8x4096xf32>
    %slice3A_512 = vector.extract_strided_slice %get3A_10 {offsets = [360, 0], sizes = [8, 1], strides = [1, 1]} : vector<1024x1xf32> to vector<8x1xf32>
    %add3A_513 = vector.broadcast %slice3A_512 : vector<8x1xf32> to vector<8x4096xf32>
    %add3A_514 = arith.addf %broadcast_in_dim3A_17, %add3A_513 : vector<8x4096xf32>
    %slice3A_515 = vector.extract_strided_slice %dot_general3A_7 {offsets = [360, 0], sizes = [8, 4096], strides = [1, 1]} : vector<1024x4096xf32> to vector<8x4096xf32>
    %add3A_516 = arith.addf %add3A_514, %slice3A_515 : vector<8x4096xf32>
    %lt3A_517 = arith.cmpf olt, %add3A_516, %min3A_511 : vector<8x4096xf32>
    %slice3A_518 = vector.extract_strided_slice %get3A_13 {offsets = [360, 0], sizes = [8, 1], strides = [1, 1]} : vector<1024x1xf32> to vector<8x1xf32>
    %broadcast_in_dim3A_519 = vector.shape_cast %slice3A_518 : vector<8x1xf32> to vector<8x1xf32>
    %broadcast_in_dim3A_520 = vector.broadcast %broadcast_in_dim3A_519 : vector<8x1xf32> to vector<8x4096xf32>
    %select_n3A_521 = arith.select %lt3A_517, %broadcast_in_dim3A_520, %select_n3A_510 : vector<8x4096xi1>, vector<8x4096xf32>
    %min3A_522 = arith.minimumf %min3A_511, %add3A_516 : vector<8x4096xf32>
    %slice3A_523 = vector.extract_strided_slice %get3A_10 {offsets = [368, 0], sizes = [8, 1], strides = [1, 1]} : vector<1024x1xf32> to vector<8x1xf32>
    %add3A_524 = vector.broadcast %slice3A_523 : vector<8x1xf32> to vector<8x4096xf32>
    %add3A_525 = arith.addf %broadcast_in_dim3A_17, %add3A_524 : vector<8x4096xf32>
    %slice3A_526 = vector.extract_strided_slice %dot_general3A_7 {offsets = [368, 0], sizes = [8, 4096], strides = [1, 1]} : vector<1024x4096xf32> to vector<8x4096xf32>
    %add3A_527 = arith.addf %add3A_525, %slice3A_526 : vector<8x4096xf32>
    %lt3A_528 = arith.cmpf olt, %add3A_527, %min3A_522 : vector<8x4096xf32>
    %slice3A_529 = vector.extract_strided_slice %get3A_13 {offsets = [368, 0], sizes = [8, 1], strides = [1, 1]} : vector<1024x1xf32> to vector<8x1xf32>
    %broadcast_in_dim3A_530 = vector.shape_cast %slice3A_529 : vector<8x1xf32> to vector<8x1xf32>
    %broadcast_in_dim3A_531 = vector.broadcast %broadcast_in_dim3A_530 : vector<8x1xf32> to vector<8x4096xf32>
    %select_n3A_532 = arith.select %lt3A_528, %broadcast_in_dim3A_531, %select_n3A_521 : vector<8x4096xi1>, vector<8x4096xf32>
    %min3A_533 = arith.minimumf %min3A_522, %add3A_527 : vector<8x4096xf32>
    %slice3A_534 = vector.extract_strided_slice %get3A_10 {offsets = [376, 0], sizes = [8, 1], strides = [1, 1]} : vector<1024x1xf32> to vector<8x1xf32>
    %add3A_535 = vector.broadcast %slice3A_534 : vector<8x1xf32> to vector<8x4096xf32>
    %add3A_536 = arith.addf %broadcast_in_dim3A_17, %add3A_535 : vector<8x4096xf32>
    %slice3A_537 = vector.extract_strided_slice %dot_general3A_7 {offsets = [376, 0], sizes = [8, 4096], strides = [1, 1]} : vector<1024x4096xf32> to vector<8x4096xf32>
    %add3A_538 = arith.addf %add3A_536, %slice3A_537 : vector<8x4096xf32>
    %lt3A_539 = arith.cmpf olt, %add3A_538, %min3A_533 : vector<8x4096xf32>
    %slice3A_540 = vector.extract_strided_slice %get3A_13 {offsets = [376, 0], sizes = [8, 1], strides = [1, 1]} : vector<1024x1xf32> to vector<8x1xf32>
    %broadcast_in_dim3A_541 = vector.shape_cast %slice3A_540 : vector<8x1xf32> to vector<8x1xf32>
    %broadcast_in_dim3A_542 = vector.broadcast %broadcast_in_dim3A_541 : vector<8x1xf32> to vector<8x4096xf32>
    %select_n3A_543 = arith.select %lt3A_539, %broadcast_in_dim3A_542, %select_n3A_532 : vector<8x4096xi1>, vector<8x4096xf32>
    %min3A_544 = arith.minimumf %min3A_533, %add3A_538 : vector<8x4096xf32>
    %slice3A_545 = vector.extract_strided_slice %get3A_10 {offsets = [384, 0], sizes = [8, 1], strides = [1, 1]} : vector<1024x1xf32> to vector<8x1xf32>
    %add3A_546 = vector.broadcast %slice3A_545 : vector<8x1xf32> to vector<8x4096xf32>
    %add3A_547 = arith.addf %broadcast_in_dim3A_17, %add3A_546 : vector<8x4096xf32>
    %slice3A_548 = vector.extract_strided_slice %dot_general3A_7 {offsets = [384, 0], sizes = [8, 4096], strides = [1, 1]} : vector<1024x4096xf32> to vector<8x4096xf32>
    %add3A_549 = arith.addf %add3A_547, %slice3A_548 : vector<8x4096xf32>
    %lt3A_550 = arith.cmpf olt, %add3A_549, %min3A_544 : vector<8x4096xf32>
    %slice3A_551 = vector.extract_strided_slice %get3A_13 {offsets = [384, 0], sizes = [8, 1], strides = [1, 1]} : vector<1024x1xf32> to vector<8x1xf32>
    %broadcast_in_dim3A_552 = vector.shape_cast %slice3A_551 : vector<8x1xf32> to vector<8x1xf32>
    %broadcast_in_dim3A_553 = vector.broadcast %broadcast_in_dim3A_552 : vector<8x1xf32> to vector<8x4096xf32>
    %select_n3A_554 = arith.select %lt3A_550, %broadcast_in_dim3A_553, %select_n3A_543 : vector<8x4096xi1>, vector<8x4096xf32>
    %min3A_555 = arith.minimumf %min3A_544, %add3A_549 : vector<8x4096xf32>
    %slice3A_556 = vector.extract_strided_slice %get3A_10 {offsets = [392, 0], sizes = [8, 1], strides = [1, 1]} : vector<1024x1xf32> to vector<8x1xf32>
    %add3A_557 = vector.broadcast %slice3A_556 : vector<8x1xf32> to vector<8x4096xf32>
    %add3A_558 = arith.addf %broadcast_in_dim3A_17, %add3A_557 : vector<8x4096xf32>
    %slice3A_559 = vector.extract_strided_slice %dot_general3A_7 {offsets = [392, 0], sizes = [8, 4096], strides = [1, 1]} : vector<1024x4096xf32> to vector<8x4096xf32>
    %add3A_560 = arith.addf %add3A_558, %slice3A_559 : vector<8x4096xf32>
    %lt3A_561 = arith.cmpf olt, %add3A_560, %min3A_555 : vector<8x4096xf32>
    %slice3A_562 = vector.extract_strided_slice %get3A_13 {offsets = [392, 0], sizes = [8, 1], strides = [1, 1]} : vector<1024x1xf32> to vector<8x1xf32>
    %broadcast_in_dim3A_563 = vector.shape_cast %slice3A_562 : vector<8x1xf32> to vector<8x1xf32>
    %broadcast_in_dim3A_564 = vector.broadcast %broadcast_in_dim3A_563 : vector<8x1xf32> to vector<8x4096xf32>
    %select_n3A_565 = arith.select %lt3A_561, %broadcast_in_dim3A_564, %select_n3A_554 : vector<8x4096xi1>, vector<8x4096xf32>
    %min3A_566 = arith.minimumf %min3A_555, %add3A_560 : vector<8x4096xf32>
    %slice3A_567 = vector.extract_strided_slice %get3A_10 {offsets = [400, 0], sizes = [8, 1], strides = [1, 1]} : vector<1024x1xf32> to vector<8x1xf32>
    %add3A_568 = vector.broadcast %slice3A_567 : vector<8x1xf32> to vector<8x4096xf32>
    %add3A_569 = arith.addf %broadcast_in_dim3A_17, %add3A_568 : vector<8x4096xf32>
    %slice3A_570 = vector.extract_strided_slice %dot_general3A_7 {offsets = [400, 0], sizes = [8, 4096], strides = [1, 1]} : vector<1024x4096xf32> to vector<8x4096xf32>
    %add3A_571 = arith.addf %add3A_569, %slice3A_570 : vector<8x4096xf32>
    %lt3A_572 = arith.cmpf olt, %add3A_571, %min3A_566 : vector<8x4096xf32>
    %slice3A_573 = vector.extract_strided_slice %get3A_13 {offsets = [400, 0], sizes = [8, 1], strides = [1, 1]} : vector<1024x1xf32> to vector<8x1xf32>
    %broadcast_in_dim3A_574 = vector.shape_cast %slice3A_573 : vector<8x1xf32> to vector<8x1xf32>
    %broadcast_in_dim3A_575 = vector.broadcast %broadcast_in_dim3A_574 : vector<8x1xf32> to vector<8x4096xf32>
    %select_n3A_576 = arith.select %lt3A_572, %broadcast_in_dim3A_575, %select_n3A_565 : vector<8x4096xi1>, vector<8x4096xf32>
    %min3A_577 = arith.minimumf %min3A_566, %add3A_571 : vector<8x4096xf32>
    %slice3A_578 = vector.extract_strided_slice %get3A_10 {offsets = [408, 0], sizes = [8, 1], strides = [1, 1]} : vector<1024x1xf32> to vector<8x1xf32>
    %add3A_579 = vector.broadcast %slice3A_578 : vector<8x1xf32> to vector<8x4096xf32>
    %add3A_580 = arith.addf %broadcast_in_dim3A_17, %add3A_579 : vector<8x4096xf32>
    %slice3A_581 = vector.extract_strided_slice %dot_general3A_7 {offsets = [408, 0], sizes = [8, 4096], strides = [1, 1]} : vector<1024x4096xf32> to vector<8x4096xf32>
    %add3A_582 = arith.addf %add3A_580, %slice3A_581 : vector<8x4096xf32>
    %lt3A_583 = arith.cmpf olt, %add3A_582, %min3A_577 : vector<8x4096xf32>
    %slice3A_584 = vector.extract_strided_slice %get3A_13 {offsets = [408, 0], sizes = [8, 1], strides = [1, 1]} : vector<1024x1xf32> to vector<8x1xf32>
    %broadcast_in_dim3A_585 = vector.shape_cast %slice3A_584 : vector<8x1xf32> to vector<8x1xf32>
    %broadcast_in_dim3A_586 = vector.broadcast %broadcast_in_dim3A_585 : vector<8x1xf32> to vector<8x4096xf32>
    %select_n3A_587 = arith.select %lt3A_583, %broadcast_in_dim3A_586, %select_n3A_576 : vector<8x4096xi1>, vector<8x4096xf32>
    %min3A_588 = arith.minimumf %min3A_577, %add3A_582 : vector<8x4096xf32>
    %slice3A_589 = vector.extract_strided_slice %get3A_10 {offsets = [416, 0], sizes = [8, 1], strides = [1, 1]} : vector<1024x1xf32> to vector<8x1xf32>
    %add3A_590 = vector.broadcast %slice3A_589 : vector<8x1xf32> to vector<8x4096xf32>
    %add3A_591 = arith.addf %broadcast_in_dim3A_17, %add3A_590 : vector<8x4096xf32>
    %slice3A_592 = vector.extract_strided_slice %dot_general3A_7 {offsets = [416, 0], sizes = [8, 4096], strides = [1, 1]} : vector<1024x4096xf32> to vector<8x4096xf32>
    %add3A_593 = arith.addf %add3A_591, %slice3A_592 : vector<8x4096xf32>
    %lt3A_594 = arith.cmpf olt, %add3A_593, %min3A_588 : vector<8x4096xf32>
    %slice3A_595 = vector.extract_strided_slice %get3A_13 {offsets = [416, 0], sizes = [8, 1], strides = [1, 1]} : vector<1024x1xf32> to vector<8x1xf32>
    %broadcast_in_dim3A_596 = vector.shape_cast %slice3A_595 : vector<8x1xf32> to vector<8x1xf32>
    %broadcast_in_dim3A_597 = vector.broadcast %broadcast_in_dim3A_596 : vector<8x1xf32> to vector<8x4096xf32>
    %select_n3A_598 = arith.select %lt3A_594, %broadcast_in_dim3A_597, %select_n3A_587 : vector<8x4096xi1>, vector<8x4096xf32>
    %min3A_599 = arith.minimumf %min3A_588, %add3A_593 : vector<8x4096xf32>
    %slice3A_600 = vector.extract_strided_slice %get3A_10 {offsets = [424, 0], sizes = [8, 1], strides = [1, 1]} : vector<1024x1xf32> to vector<8x1xf32>
    %add3A_601 = vector.broadcast %slice3A_600 : vector<8x1xf32> to vector<8x4096xf32>
    %add3A_602 = arith.addf %broadcast_in_dim3A_17, %add3A_601 : vector<8x4096xf32>
    %slice3A_603 = vector.extract_strided_slice %dot_general3A_7 {offsets = [424, 0], sizes = [8, 4096], strides = [1, 1]} : vector<1024x4096xf32> to vector<8x4096xf32>
    %add3A_604 = arith.addf %add3A_602, %slice3A_603 : vector<8x4096xf32>
    %lt3A_605 = arith.cmpf olt, %add3A_604, %min3A_599 : vector<8x4096xf32>
    %slice3A_606 = vector.extract_strided_slice %get3A_13 {offsets = [424, 0], sizes = [8, 1], strides = [1, 1]} : vector<1024x1xf32> to vector<8x1xf32>
    %broadcast_in_dim3A_607 = vector.shape_cast %slice3A_606 : vector<8x1xf32> to vector<8x1xf32>
    %broadcast_in_dim3A_608 = vector.broadcast %broadcast_in_dim3A_607 : vector<8x1xf32> to vector<8x4096xf32>
    %select_n3A_609 = arith.select %lt3A_605, %broadcast_in_dim3A_608, %select_n3A_598 : vector<8x4096xi1>, vector<8x4096xf32>
    %min3A_610 = arith.minimumf %min3A_599, %add3A_604 : vector<8x4096xf32>
    %slice3A_611 = vector.extract_strided_slice %get3A_10 {offsets = [432, 0], sizes = [8, 1], strides = [1, 1]} : vector<1024x1xf32> to vector<8x1xf32>
    %add3A_612 = vector.broadcast %slice3A_611 : vector<8x1xf32> to vector<8x4096xf32>
    %add3A_613 = arith.addf %broadcast_in_dim3A_17, %add3A_612 : vector<8x4096xf32>
    %slice3A_614 = vector.extract_strided_slice %dot_general3A_7 {offsets = [432, 0], sizes = [8, 4096], strides = [1, 1]} : vector<1024x4096xf32> to vector<8x4096xf32>
    %add3A_615 = arith.addf %add3A_613, %slice3A_614 : vector<8x4096xf32>
    %lt3A_616 = arith.cmpf olt, %add3A_615, %min3A_610 : vector<8x4096xf32>
    %slice3A_617 = vector.extract_strided_slice %get3A_13 {offsets = [432, 0], sizes = [8, 1], strides = [1, 1]} : vector<1024x1xf32> to vector<8x1xf32>
    %broadcast_in_dim3A_618 = vector.shape_cast %slice3A_617 : vector<8x1xf32> to vector<8x1xf32>
    %broadcast_in_dim3A_619 = vector.broadcast %broadcast_in_dim3A_618 : vector<8x1xf32> to vector<8x4096xf32>
    %select_n3A_620 = arith.select %lt3A_616, %broadcast_in_dim3A_619, %select_n3A_609 : vector<8x4096xi1>, vector<8x4096xf32>
    %min3A_621 = arith.minimumf %min3A_610, %add3A_615 : vector<8x4096xf32>
    %slice3A_622 = vector.extract_strided_slice %get3A_10 {offsets = [440, 0], sizes = [8, 1], strides = [1, 1]} : vector<1024x1xf32> to vector<8x1xf32>
    %add3A_623 = vector.broadcast %slice3A_622 : vector<8x1xf32> to vector<8x4096xf32>
    %add3A_624 = arith.addf %broadcast_in_dim3A_17, %add3A_623 : vector<8x4096xf32>
    %slice3A_625 = vector.extract_strided_slice %dot_general3A_7 {offsets = [440, 0], sizes = [8, 4096], strides = [1, 1]} : vector<1024x4096xf32> to vector<8x4096xf32>
    %add3A_626 = arith.addf %add3A_624, %slice3A_625 : vector<8x4096xf32>
    %lt3A_627 = arith.cmpf olt, %add3A_626, %min3A_621 : vector<8x4096xf32>
    %slice3A_628 = vector.extract_strided_slice %get3A_13 {offsets = [440, 0], sizes = [8, 1], strides = [1, 1]} : vector<1024x1xf32> to vector<8x1xf32>
    %broadcast_in_dim3A_629 = vector.shape_cast %slice3A_628 : vector<8x1xf32> to vector<8x1xf32>
    %broadcast_in_dim3A_630 = vector.broadcast %broadcast_in_dim3A_629 : vector<8x1xf32> to vector<8x4096xf32>
    %select_n3A_631 = arith.select %lt3A_627, %broadcast_in_dim3A_630, %select_n3A_620 : vector<8x4096xi1>, vector<8x4096xf32>
    %min3A_632 = arith.minimumf %min3A_621, %add3A_626 : vector<8x4096xf32>
    %slice3A_633 = vector.extract_strided_slice %get3A_10 {offsets = [448, 0], sizes = [8, 1], strides = [1, 1]} : vector<1024x1xf32> to vector<8x1xf32>
    %add3A_634 = vector.broadcast %slice3A_633 : vector<8x1xf32> to vector<8x4096xf32>
    %add3A_635 = arith.addf %broadcast_in_dim3A_17, %add3A_634 : vector<8x4096xf32>
    %slice3A_636 = vector.extract_strided_slice %dot_general3A_7 {offsets = [448, 0], sizes = [8, 4096], strides = [1, 1]} : vector<1024x4096xf32> to vector<8x4096xf32>
    %add3A_637 = arith.addf %add3A_635, %slice3A_636 : vector<8x4096xf32>
    %lt3A_638 = arith.cmpf olt, %add3A_637, %min3A_632 : vector<8x4096xf32>
    %slice3A_639 = vector.extract_strided_slice %get3A_13 {offsets = [448, 0], sizes = [8, 1], strides = [1, 1]} : vector<1024x1xf32> to vector<8x1xf32>
    %broadcast_in_dim3A_640 = vector.shape_cast %slice3A_639 : vector<8x1xf32> to vector<8x1xf32>
    %broadcast_in_dim3A_641 = vector.broadcast %broadcast_in_dim3A_640 : vector<8x1xf32> to vector<8x4096xf32>
    %select_n3A_642 = arith.select %lt3A_638, %broadcast_in_dim3A_641, %select_n3A_631 : vector<8x4096xi1>, vector<8x4096xf32>
    %min3A_643 = arith.minimumf %min3A_632, %add3A_637 : vector<8x4096xf32>
    %slice3A_644 = vector.extract_strided_slice %get3A_10 {offsets = [456, 0], sizes = [8, 1], strides = [1, 1]} : vector<1024x1xf32> to vector<8x1xf32>
    %add3A_645 = vector.broadcast %slice3A_644 : vector<8x1xf32> to vector<8x4096xf32>
    %add3A_646 = arith.addf %broadcast_in_dim3A_17, %add3A_645 : vector<8x4096xf32>
    %slice3A_647 = vector.extract_strided_slice %dot_general3A_7 {offsets = [456, 0], sizes = [8, 4096], strides = [1, 1]} : vector<1024x4096xf32> to vector<8x4096xf32>
    %add3A_648 = arith.addf %add3A_646, %slice3A_647 : vector<8x4096xf32>
    %lt3A_649 = arith.cmpf olt, %add3A_648, %min3A_643 : vector<8x4096xf32>
    %slice3A_650 = vector.extract_strided_slice %get3A_13 {offsets = [456, 0], sizes = [8, 1], strides = [1, 1]} : vector<1024x1xf32> to vector<8x1xf32>
    %broadcast_in_dim3A_651 = vector.shape_cast %slice3A_650 : vector<8x1xf32> to vector<8x1xf32>
    %broadcast_in_dim3A_652 = vector.broadcast %broadcast_in_dim3A_651 : vector<8x1xf32> to vector<8x4096xf32>
    %select_n3A_653 = arith.select %lt3A_649, %broadcast_in_dim3A_652, %select_n3A_642 : vector<8x4096xi1>, vector<8x4096xf32>
    %min3A_654 = arith.minimumf %min3A_643, %add3A_648 : vector<8x4096xf32>
    %slice3A_655 = vector.extract_strided_slice %get3A_10 {offsets = [464, 0], sizes = [8, 1], strides = [1, 1]} : vector<1024x1xf32> to vector<8x1xf32>
    %add3A_656 = vector.broadcast %slice3A_655 : vector<8x1xf32> to vector<8x4096xf32>
    %add3A_657 = arith.addf %broadcast_in_dim3A_17, %add3A_656 : vector<8x4096xf32>
    %slice3A_658 = vector.extract_strided_slice %dot_general3A_7 {offsets = [464, 0], sizes = [8, 4096], strides = [1, 1]} : vector<1024x4096xf32> to vector<8x4096xf32>
    %add3A_659 = arith.addf %add3A_657, %slice3A_658 : vector<8x4096xf32>
    %lt3A_660 = arith.cmpf olt, %add3A_659, %min3A_654 : vector<8x4096xf32>
    %slice3A_661 = vector.extract_strided_slice %get3A_13 {offsets = [464, 0], sizes = [8, 1], strides = [1, 1]} : vector<1024x1xf32> to vector<8x1xf32>
    %broadcast_in_dim3A_662 = vector.shape_cast %slice3A_661 : vector<8x1xf32> to vector<8x1xf32>
    %broadcast_in_dim3A_663 = vector.broadcast %broadcast_in_dim3A_662 : vector<8x1xf32> to vector<8x4096xf32>
    %select_n3A_664 = arith.select %lt3A_660, %broadcast_in_dim3A_663, %select_n3A_653 : vector<8x4096xi1>, vector<8x4096xf32>
    %min3A_665 = arith.minimumf %min3A_654, %add3A_659 : vector<8x4096xf32>
    %slice3A_666 = vector.extract_strided_slice %get3A_10 {offsets = [472, 0], sizes = [8, 1], strides = [1, 1]} : vector<1024x1xf32> to vector<8x1xf32>
    %add3A_667 = vector.broadcast %slice3A_666 : vector<8x1xf32> to vector<8x4096xf32>
    %add3A_668 = arith.addf %broadcast_in_dim3A_17, %add3A_667 : vector<8x4096xf32>
    %slice3A_669 = vector.extract_strided_slice %dot_general3A_7 {offsets = [472, 0], sizes = [8, 4096], strides = [1, 1]} : vector<1024x4096xf32> to vector<8x4096xf32>
    %add3A_670 = arith.addf %add3A_668, %slice3A_669 : vector<8x4096xf32>
    %lt3A_671 = arith.cmpf olt, %add3A_670, %min3A_665 : vector<8x4096xf32>
    %slice3A_672 = vector.extract_strided_slice %get3A_13 {offsets = [472, 0], sizes = [8, 1], strides = [1, 1]} : vector<1024x1xf32> to vector<8x1xf32>
    %broadcast_in_dim3A_673 = vector.shape_cast %slice3A_672 : vector<8x1xf32> to vector<8x1xf32>
    %broadcast_in_dim3A_674 = vector.broadcast %broadcast_in_dim3A_673 : vector<8x1xf32> to vector<8x4096xf32>
    %select_n3A_675 = arith.select %lt3A_671, %broadcast_in_dim3A_674, %select_n3A_664 : vector<8x4096xi1>, vector<8x4096xf32>
    %min3A_676 = arith.minimumf %min3A_665, %add3A_670 : vector<8x4096xf32>
    %slice3A_677 = vector.extract_strided_slice %get3A_10 {offsets = [480, 0], sizes = [8, 1], strides = [1, 1]} : vector<1024x1xf32> to vector<8x1xf32>
    %add3A_678 = vector.broadcast %slice3A_677 : vector<8x1xf32> to vector<8x4096xf32>
    %add3A_679 = arith.addf %broadcast_in_dim3A_17, %add3A_678 : vector<8x4096xf32>
    %slice3A_680 = vector.extract_strided_slice %dot_general3A_7 {offsets = [480, 0], sizes = [8, 4096], strides = [1, 1]} : vector<1024x4096xf32> to vector<8x4096xf32>
    %add3A_681 = arith.addf %add3A_679, %slice3A_680 : vector<8x4096xf32>
    %lt3A_682 = arith.cmpf olt, %add3A_681, %min3A_676 : vector<8x4096xf32>
    %slice3A_683 = vector.extract_strided_slice %get3A_13 {offsets = [480, 0], sizes = [8, 1], strides = [1, 1]} : vector<1024x1xf32> to vector<8x1xf32>
    %broadcast_in_dim3A_684 = vector.shape_cast %slice3A_683 : vector<8x1xf32> to vector<8x1xf32>
    %broadcast_in_dim3A_685 = vector.broadcast %broadcast_in_dim3A_684 : vector<8x1xf32> to vector<8x4096xf32>
    %select_n3A_686 = arith.select %lt3A_682, %broadcast_in_dim3A_685, %select_n3A_675 : vector<8x4096xi1>, vector<8x4096xf32>
    %min3A_687 = arith.minimumf %min3A_676, %add3A_681 : vector<8x4096xf32>
    %slice3A_688 = vector.extract_strided_slice %get3A_10 {offsets = [488, 0], sizes = [8, 1], strides = [1, 1]} : vector<1024x1xf32> to vector<8x1xf32>
    %add3A_689 = vector.broadcast %slice3A_688 : vector<8x1xf32> to vector<8x4096xf32>
    %add3A_690 = arith.addf %broadcast_in_dim3A_17, %add3A_689 : vector<8x4096xf32>
    %slice3A_691 = vector.extract_strided_slice %dot_general3A_7 {offsets = [488, 0], sizes = [8, 4096], strides = [1, 1]} : vector<1024x4096xf32> to vector<8x4096xf32>
    %add3A_692 = arith.addf %add3A_690, %slice3A_691 : vector<8x4096xf32>
    %lt3A_693 = arith.cmpf olt, %add3A_692, %min3A_687 : vector<8x4096xf32>
    %slice3A_694 = vector.extract_strided_slice %get3A_13 {offsets = [488, 0], sizes = [8, 1], strides = [1, 1]} : vector<1024x1xf32> to vector<8x1xf32>
    %broadcast_in_dim3A_695 = vector.shape_cast %slice3A_694 : vector<8x1xf32> to vector<8x1xf32>
    %broadcast_in_dim3A_696 = vector.broadcast %broadcast_in_dim3A_695 : vector<8x1xf32> to vector<8x4096xf32>
    %select_n3A_697 = arith.select %lt3A_693, %broadcast_in_dim3A_696, %select_n3A_686 : vector<8x4096xi1>, vector<8x4096xf32>
    %min3A_698 = arith.minimumf %min3A_687, %add3A_692 : vector<8x4096xf32>
    %slice3A_699 = vector.extract_strided_slice %get3A_10 {offsets = [496, 0], sizes = [8, 1], strides = [1, 1]} : vector<1024x1xf32> to vector<8x1xf32>
    %add3A_700 = vector.broadcast %slice3A_699 : vector<8x1xf32> to vector<8x4096xf32>
    %add3A_701 = arith.addf %broadcast_in_dim3A_17, %add3A_700 : vector<8x4096xf32>
    %slice3A_702 = vector.extract_strided_slice %dot_general3A_7 {offsets = [496, 0], sizes = [8, 4096], strides = [1, 1]} : vector<1024x4096xf32> to vector<8x4096xf32>
    %add3A_703 = arith.addf %add3A_701, %slice3A_702 : vector<8x4096xf32>
    %lt3A_704 = arith.cmpf olt, %add3A_703, %min3A_698 : vector<8x4096xf32>
    %slice3A_705 = vector.extract_strided_slice %get3A_13 {offsets = [496, 0], sizes = [8, 1], strides = [1, 1]} : vector<1024x1xf32> to vector<8x1xf32>
    %broadcast_in_dim3A_706 = vector.shape_cast %slice3A_705 : vector<8x1xf32> to vector<8x1xf32>
    %broadcast_in_dim3A_707 = vector.broadcast %broadcast_in_dim3A_706 : vector<8x1xf32> to vector<8x4096xf32>
    %select_n3A_708 = arith.select %lt3A_704, %broadcast_in_dim3A_707, %select_n3A_697 : vector<8x4096xi1>, vector<8x4096xf32>
    %min3A_709 = arith.minimumf %min3A_698, %add3A_703 : vector<8x4096xf32>
    %slice3A_710 = vector.extract_strided_slice %get3A_10 {offsets = [504, 0], sizes = [8, 1], strides = [1, 1]} : vector<1024x1xf32> to vector<8x1xf32>
    %add3A_711 = vector.broadcast %slice3A_710 : vector<8x1xf32> to vector<8x4096xf32>
    %add3A_712 = arith.addf %broadcast_in_dim3A_17, %add3A_711 : vector<8x4096xf32>
    %slice3A_713 = vector.extract_strided_slice %dot_general3A_7 {offsets = [504, 0], sizes = [8, 4096], strides = [1, 1]} : vector<1024x4096xf32> to vector<8x4096xf32>
    %add3A_714 = arith.addf %add3A_712, %slice3A_713 : vector<8x4096xf32>
    %lt3A_715 = arith.cmpf olt, %add3A_714, %min3A_709 : vector<8x4096xf32>
    %slice3A_716 = vector.extract_strided_slice %get3A_13 {offsets = [504, 0], sizes = [8, 1], strides = [1, 1]} : vector<1024x1xf32> to vector<8x1xf32>
    %broadcast_in_dim3A_717 = vector.shape_cast %slice3A_716 : vector<8x1xf32> to vector<8x1xf32>
    %broadcast_in_dim3A_718 = vector.broadcast %broadcast_in_dim3A_717 : vector<8x1xf32> to vector<8x4096xf32>
    %select_n3A_719 = arith.select %lt3A_715, %broadcast_in_dim3A_718, %select_n3A_708 : vector<8x4096xi1>, vector<8x4096xf32>
    %min3A_720 = arith.minimumf %min3A_709, %add3A_714 : vector<8x4096xf32>
    %slice3A_721 = vector.extract_strided_slice %get3A_10 {offsets = [512, 0], sizes = [8, 1], strides = [1, 1]} : vector<1024x1xf32> to vector<8x1xf32>
    %add3A_722 = vector.broadcast %slice3A_721 : vector<8x1xf32> to vector<8x4096xf32>
    %add3A_723 = arith.addf %broadcast_in_dim3A_17, %add3A_722 : vector<8x4096xf32>
    %slice3A_724 = vector.extract_strided_slice %dot_general3A_7 {offsets = [512, 0], sizes = [8, 4096], strides = [1, 1]} : vector<1024x4096xf32> to vector<8x4096xf32>
    %add3A_725 = arith.addf %add3A_723, %slice3A_724 : vector<8x4096xf32>
    %lt3A_726 = arith.cmpf olt, %add3A_725, %min3A_720 : vector<8x4096xf32>
    %slice3A_727 = vector.extract_strided_slice %get3A_13 {offsets = [512, 0], sizes = [8, 1], strides = [1, 1]} : vector<1024x1xf32> to vector<8x1xf32>
    %broadcast_in_dim3A_728 = vector.shape_cast %slice3A_727 : vector<8x1xf32> to vector<8x1xf32>
    %broadcast_in_dim3A_729 = vector.broadcast %broadcast_in_dim3A_728 : vector<8x1xf32> to vector<8x4096xf32>
    %select_n3A_730 = arith.select %lt3A_726, %broadcast_in_dim3A_729, %select_n3A_719 : vector<8x4096xi1>, vector<8x4096xf32>
    %min3A_731 = arith.minimumf %min3A_720, %add3A_725 : vector<8x4096xf32>
    %slice3A_732 = vector.extract_strided_slice %get3A_10 {offsets = [520, 0], sizes = [8, 1], strides = [1, 1]} : vector<1024x1xf32> to vector<8x1xf32>
    %add3A_733 = vector.broadcast %slice3A_732 : vector<8x1xf32> to vector<8x4096xf32>
    %add3A_734 = arith.addf %broadcast_in_dim3A_17, %add3A_733 : vector<8x4096xf32>
    %slice3A_735 = vector.extract_strided_slice %dot_general3A_7 {offsets = [520, 0], sizes = [8, 4096], strides = [1, 1]} : vector<1024x4096xf32> to vector<8x4096xf32>
    %add3A_736 = arith.addf %add3A_734, %slice3A_735 : vector<8x4096xf32>
    %lt3A_737 = arith.cmpf olt, %add3A_736, %min3A_731 : vector<8x4096xf32>
    %slice3A_738 = vector.extract_strided_slice %get3A_13 {offsets = [520, 0], sizes = [8, 1], strides = [1, 1]} : vector<1024x1xf32> to vector<8x1xf32>
    %broadcast_in_dim3A_739 = vector.shape_cast %slice3A_738 : vector<8x1xf32> to vector<8x1xf32>
    %broadcast_in_dim3A_740 = vector.broadcast %broadcast_in_dim3A_739 : vector<8x1xf32> to vector<8x4096xf32>
    %select_n3A_741 = arith.select %lt3A_737, %broadcast_in_dim3A_740, %select_n3A_730 : vector<8x4096xi1>, vector<8x4096xf32>
    %min3A_742 = arith.minimumf %min3A_731, %add3A_736 : vector<8x4096xf32>
    %slice3A_743 = vector.extract_strided_slice %get3A_10 {offsets = [528, 0], sizes = [8, 1], strides = [1, 1]} : vector<1024x1xf32> to vector<8x1xf32>
    %add3A_744 = vector.broadcast %slice3A_743 : vector<8x1xf32> to vector<8x4096xf32>
    %add3A_745 = arith.addf %broadcast_in_dim3A_17, %add3A_744 : vector<8x4096xf32>
    %slice3A_746 = vector.extract_strided_slice %dot_general3A_7 {offsets = [528, 0], sizes = [8, 4096], strides = [1, 1]} : vector<1024x4096xf32> to vector<8x4096xf32>
    %add3A_747 = arith.addf %add3A_745, %slice3A_746 : vector<8x4096xf32>
    %lt3A_748 = arith.cmpf olt, %add3A_747, %min3A_742 : vector<8x4096xf32>
    %slice3A_749 = vector.extract_strided_slice %get3A_13 {offsets = [528, 0], sizes = [8, 1], strides = [1, 1]} : vector<1024x1xf32> to vector<8x1xf32>
    %broadcast_in_dim3A_750 = vector.shape_cast %slice3A_749 : vector<8x1xf32> to vector<8x1xf32>
    %broadcast_in_dim3A_751 = vector.broadcast %broadcast_in_dim3A_750 : vector<8x1xf32> to vector<8x4096xf32>
    %select_n3A_752 = arith.select %lt3A_748, %broadcast_in_dim3A_751, %select_n3A_741 : vector<8x4096xi1>, vector<8x4096xf32>
    %min3A_753 = arith.minimumf %min3A_742, %add3A_747 : vector<8x4096xf32>
    %slice3A_754 = vector.extract_strided_slice %get3A_10 {offsets = [536, 0], sizes = [8, 1], strides = [1, 1]} : vector<1024x1xf32> to vector<8x1xf32>
    %add3A_755 = vector.broadcast %slice3A_754 : vector<8x1xf32> to vector<8x4096xf32>
    %add3A_756 = arith.addf %broadcast_in_dim3A_17, %add3A_755 : vector<8x4096xf32>
    %slice3A_757 = vector.extract_strided_slice %dot_general3A_7 {offsets = [536, 0], sizes = [8, 4096], strides = [1, 1]} : vector<1024x4096xf32> to vector<8x4096xf32>
    %add3A_758 = arith.addf %add3A_756, %slice3A_757 : vector<8x4096xf32>
    %lt3A_759 = arith.cmpf olt, %add3A_758, %min3A_753 : vector<8x4096xf32>
    %slice3A_760 = vector.extract_strided_slice %get3A_13 {offsets = [536, 0], sizes = [8, 1], strides = [1, 1]} : vector<1024x1xf32> to vector<8x1xf32>
    %broadcast_in_dim3A_761 = vector.shape_cast %slice3A_760 : vector<8x1xf32> to vector<8x1xf32>
    %broadcast_in_dim3A_762 = vector.broadcast %broadcast_in_dim3A_761 : vector<8x1xf32> to vector<8x4096xf32>
    %select_n3A_763 = arith.select %lt3A_759, %broadcast_in_dim3A_762, %select_n3A_752 : vector<8x4096xi1>, vector<8x4096xf32>
    %min3A_764 = arith.minimumf %min3A_753, %add3A_758 : vector<8x4096xf32>
    %slice3A_765 = vector.extract_strided_slice %get3A_10 {offsets = [544, 0], sizes = [8, 1], strides = [1, 1]} : vector<1024x1xf32> to vector<8x1xf32>
    %add3A_766 = vector.broadcast %slice3A_765 : vector<8x1xf32> to vector<8x4096xf32>
    %add3A_767 = arith.addf %broadcast_in_dim3A_17, %add3A_766 : vector<8x4096xf32>
    %slice3A_768 = vector.extract_strided_slice %dot_general3A_7 {offsets = [544, 0], sizes = [8, 4096], strides = [1, 1]} : vector<1024x4096xf32> to vector<8x4096xf32>
    %add3A_769 = arith.addf %add3A_767, %slice3A_768 : vector<8x4096xf32>
    %lt3A_770 = arith.cmpf olt, %add3A_769, %min3A_764 : vector<8x4096xf32>
    %slice3A_771 = vector.extract_strided_slice %get3A_13 {offsets = [544, 0], sizes = [8, 1], strides = [1, 1]} : vector<1024x1xf32> to vector<8x1xf32>
    %broadcast_in_dim3A_772 = vector.shape_cast %slice3A_771 : vector<8x1xf32> to vector<8x1xf32>
    %broadcast_in_dim3A_773 = vector.broadcast %broadcast_in_dim3A_772 : vector<8x1xf32> to vector<8x4096xf32>
    %select_n3A_774 = arith.select %lt3A_770, %broadcast_in_dim3A_773, %select_n3A_763 : vector<8x4096xi1>, vector<8x4096xf32>
    %min3A_775 = arith.minimumf %min3A_764, %add3A_769 : vector<8x4096xf32>
    %slice3A_776 = vector.extract_strided_slice %get3A_10 {offsets = [552, 0], sizes = [8, 1], strides = [1, 1]} : vector<1024x1xf32> to vector<8x1xf32>
    %add3A_777 = vector.broadcast %slice3A_776 : vector<8x1xf32> to vector<8x4096xf32>
    %add3A_778 = arith.addf %broadcast_in_dim3A_17, %add3A_777 : vector<8x4096xf32>
    %slice3A_779 = vector.extract_strided_slice %dot_general3A_7 {offsets = [552, 0], sizes = [8, 4096], strides = [1, 1]} : vector<1024x4096xf32> to vector<8x4096xf32>
    %add3A_780 = arith.addf %add3A_778, %slice3A_779 : vector<8x4096xf32>
    %lt3A_781 = arith.cmpf olt, %add3A_780, %min3A_775 : vector<8x4096xf32>
    %slice3A_782 = vector.extract_strided_slice %get3A_13 {offsets = [552, 0], sizes = [8, 1], strides = [1, 1]} : vector<1024x1xf32> to vector<8x1xf32>
    %broadcast_in_dim3A_783 = vector.shape_cast %slice3A_782 : vector<8x1xf32> to vector<8x1xf32>
    %broadcast_in_dim3A_784 = vector.broadcast %broadcast_in_dim3A_783 : vector<8x1xf32> to vector<8x4096xf32>
    %select_n3A_785 = arith.select %lt3A_781, %broadcast_in_dim3A_784, %select_n3A_774 : vector<8x4096xi1>, vector<8x4096xf32>
    %min3A_786 = arith.minimumf %min3A_775, %add3A_780 : vector<8x4096xf32>
    %slice3A_787 = vector.extract_strided_slice %get3A_10 {offsets = [560, 0], sizes = [8, 1], strides = [1, 1]} : vector<1024x1xf32> to vector<8x1xf32>
    %add3A_788 = vector.broadcast %slice3A_787 : vector<8x1xf32> to vector<8x4096xf32>
    %add3A_789 = arith.addf %broadcast_in_dim3A_17, %add3A_788 : vector<8x4096xf32>
    %slice3A_790 = vector.extract_strided_slice %dot_general3A_7 {offsets = [560, 0], sizes = [8, 4096], strides = [1, 1]} : vector<1024x4096xf32> to vector<8x4096xf32>
    %add3A_791 = arith.addf %add3A_789, %slice3A_790 : vector<8x4096xf32>
    %lt3A_792 = arith.cmpf olt, %add3A_791, %min3A_786 : vector<8x4096xf32>
    %slice3A_793 = vector.extract_strided_slice %get3A_13 {offsets = [560, 0], sizes = [8, 1], strides = [1, 1]} : vector<1024x1xf32> to vector<8x1xf32>
    %broadcast_in_dim3A_794 = vector.shape_cast %slice3A_793 : vector<8x1xf32> to vector<8x1xf32>
    %broadcast_in_dim3A_795 = vector.broadcast %broadcast_in_dim3A_794 : vector<8x1xf32> to vector<8x4096xf32>
    %select_n3A_796 = arith.select %lt3A_792, %broadcast_in_dim3A_795, %select_n3A_785 : vector<8x4096xi1>, vector<8x4096xf32>
    %min3A_797 = arith.minimumf %min3A_786, %add3A_791 : vector<8x4096xf32>
    %slice3A_798 = vector.extract_strided_slice %get3A_10 {offsets = [568, 0], sizes = [8, 1], strides = [1, 1]} : vector<1024x1xf32> to vector<8x1xf32>
    %add3A_799 = vector.broadcast %slice3A_798 : vector<8x1xf32> to vector<8x4096xf32>
    %add3A_800 = arith.addf %broadcast_in_dim3A_17, %add3A_799 : vector<8x4096xf32>
    %slice3A_801 = vector.extract_strided_slice %dot_general3A_7 {offsets = [568, 0], sizes = [8, 4096], strides = [1, 1]} : vector<1024x4096xf32> to vector<8x4096xf32>
    %add3A_802 = arith.addf %add3A_800, %slice3A_801 : vector<8x4096xf32>
    %lt3A_803 = arith.cmpf olt, %add3A_802, %min3A_797 : vector<8x4096xf32>
    %slice3A_804 = vector.extract_strided_slice %get3A_13 {offsets = [568, 0], sizes = [8, 1], strides = [1, 1]} : vector<1024x1xf32> to vector<8x1xf32>
    %broadcast_in_dim3A_805 = vector.shape_cast %slice3A_804 : vector<8x1xf32> to vector<8x1xf32>
    %broadcast_in_dim3A_806 = vector.broadcast %broadcast_in_dim3A_805 : vector<8x1xf32> to vector<8x4096xf32>
    %select_n3A_807 = arith.select %lt3A_803, %broadcast_in_dim3A_806, %select_n3A_796 : vector<8x4096xi1>, vector<8x4096xf32>
    %min3A_808 = arith.minimumf %min3A_797, %add3A_802 : vector<8x4096xf32>
    %slice3A_809 = vector.extract_strided_slice %get3A_10 {offsets = [576, 0], sizes = [8, 1], strides = [1, 1]} : vector<1024x1xf32> to vector<8x1xf32>
    %add3A_810 = vector.broadcast %slice3A_809 : vector<8x1xf32> to vector<8x4096xf32>
    %add3A_811 = arith.addf %broadcast_in_dim3A_17, %add3A_810 : vector<8x4096xf32>
    %slice3A_812 = vector.extract_strided_slice %dot_general3A_7 {offsets = [576, 0], sizes = [8, 4096], strides = [1, 1]} : vector<1024x4096xf32> to vector<8x4096xf32>
    %add3A_813 = arith.addf %add3A_811, %slice3A_812 : vector<8x4096xf32>
    %lt3A_814 = arith.cmpf olt, %add3A_813, %min3A_808 : vector<8x4096xf32>
    %slice3A_815 = vector.extract_strided_slice %get3A_13 {offsets = [576, 0], sizes = [8, 1], strides = [1, 1]} : vector<1024x1xf32> to vector<8x1xf32>
    %broadcast_in_dim3A_816 = vector.shape_cast %slice3A_815 : vector<8x1xf32> to vector<8x1xf32>
    %broadcast_in_dim3A_817 = vector.broadcast %broadcast_in_dim3A_816 : vector<8x1xf32> to vector<8x4096xf32>
    %select_n3A_818 = arith.select %lt3A_814, %broadcast_in_dim3A_817, %select_n3A_807 : vector<8x4096xi1>, vector<8x4096xf32>
    %min3A_819 = arith.minimumf %min3A_808, %add3A_813 : vector<8x4096xf32>
    %slice3A_820 = vector.extract_strided_slice %get3A_10 {offsets = [584, 0], sizes = [8, 1], strides = [1, 1]} : vector<1024x1xf32> to vector<8x1xf32>
    %add3A_821 = vector.broadcast %slice3A_820 : vector<8x1xf32> to vector<8x4096xf32>
    %add3A_822 = arith.addf %broadcast_in_dim3A_17, %add3A_821 : vector<8x4096xf32>
    %slice3A_823 = vector.extract_strided_slice %dot_general3A_7 {offsets = [584, 0], sizes = [8, 4096], strides = [1, 1]} : vector<1024x4096xf32> to vector<8x4096xf32>
    %add3A_824 = arith.addf %add3A_822, %slice3A_823 : vector<8x4096xf32>
    %lt3A_825 = arith.cmpf olt, %add3A_824, %min3A_819 : vector<8x4096xf32>
    %slice3A_826 = vector.extract_strided_slice %get3A_13 {offsets = [584, 0], sizes = [8, 1], strides = [1, 1]} : vector<1024x1xf32> to vector<8x1xf32>
    %broadcast_in_dim3A_827 = vector.shape_cast %slice3A_826 : vector<8x1xf32> to vector<8x1xf32>
    %broadcast_in_dim3A_828 = vector.broadcast %broadcast_in_dim3A_827 : vector<8x1xf32> to vector<8x4096xf32>
    %select_n3A_829 = arith.select %lt3A_825, %broadcast_in_dim3A_828, %select_n3A_818 : vector<8x4096xi1>, vector<8x4096xf32>
    %min3A_830 = arith.minimumf %min3A_819, %add3A_824 : vector<8x4096xf32>
    %slice3A_831 = vector.extract_strided_slice %get3A_10 {offsets = [592, 0], sizes = [8, 1], strides = [1, 1]} : vector<1024x1xf32> to vector<8x1xf32>
    %add3A_832 = vector.broadcast %slice3A_831 : vector<8x1xf32> to vector<8x4096xf32>
    %add3A_833 = arith.addf %broadcast_in_dim3A_17, %add3A_832 : vector<8x4096xf32>
    %slice3A_834 = vector.extract_strided_slice %dot_general3A_7 {offsets = [592, 0], sizes = [8, 4096], strides = [1, 1]} : vector<1024x4096xf32> to vector<8x4096xf32>
    %add3A_835 = arith.addf %add3A_833, %slice3A_834 : vector<8x4096xf32>
    %lt3A_836 = arith.cmpf olt, %add3A_835, %min3A_830 : vector<8x4096xf32>
    %slice3A_837 = vector.extract_strided_slice %get3A_13 {offsets = [592, 0], sizes = [8, 1], strides = [1, 1]} : vector<1024x1xf32> to vector<8x1xf32>
    %broadcast_in_dim3A_838 = vector.shape_cast %slice3A_837 : vector<8x1xf32> to vector<8x1xf32>
    %broadcast_in_dim3A_839 = vector.broadcast %broadcast_in_dim3A_838 : vector<8x1xf32> to vector<8x4096xf32>
    %select_n3A_840 = arith.select %lt3A_836, %broadcast_in_dim3A_839, %select_n3A_829 : vector<8x4096xi1>, vector<8x4096xf32>
    %min3A_841 = arith.minimumf %min3A_830, %add3A_835 : vector<8x4096xf32>
    %slice3A_842 = vector.extract_strided_slice %get3A_10 {offsets = [600, 0], sizes = [8, 1], strides = [1, 1]} : vector<1024x1xf32> to vector<8x1xf32>
    %add3A_843 = vector.broadcast %slice3A_842 : vector<8x1xf32> to vector<8x4096xf32>
    %add3A_844 = arith.addf %broadcast_in_dim3A_17, %add3A_843 : vector<8x4096xf32>
    %slice3A_845 = vector.extract_strided_slice %dot_general3A_7 {offsets = [600, 0], sizes = [8, 4096], strides = [1, 1]} : vector<1024x4096xf32> to vector<8x4096xf32>
    %add3A_846 = arith.addf %add3A_844, %slice3A_845 : vector<8x4096xf32>
    %lt3A_847 = arith.cmpf olt, %add3A_846, %min3A_841 : vector<8x4096xf32>
    %slice3A_848 = vector.extract_strided_slice %get3A_13 {offsets = [600, 0], sizes = [8, 1], strides = [1, 1]} : vector<1024x1xf32> to vector<8x1xf32>
    %broadcast_in_dim3A_849 = vector.shape_cast %slice3A_848 : vector<8x1xf32> to vector<8x1xf32>
    %broadcast_in_dim3A_850 = vector.broadcast %broadcast_in_dim3A_849 : vector<8x1xf32> to vector<8x4096xf32>
    %select_n3A_851 = arith.select %lt3A_847, %broadcast_in_dim3A_850, %select_n3A_840 : vector<8x4096xi1>, vector<8x4096xf32>
    %min3A_852 = arith.minimumf %min3A_841, %add3A_846 : vector<8x4096xf32>
    %slice3A_853 = vector.extract_strided_slice %get3A_10 {offsets = [608, 0], sizes = [8, 1], strides = [1, 1]} : vector<1024x1xf32> to vector<8x1xf32>
    %add3A_854 = vector.broadcast %slice3A_853 : vector<8x1xf32> to vector<8x4096xf32>
    %add3A_855 = arith.addf %broadcast_in_dim3A_17, %add3A_854 : vector<8x4096xf32>
    %slice3A_856 = vector.extract_strided_slice %dot_general3A_7 {offsets = [608, 0], sizes = [8, 4096], strides = [1, 1]} : vector<1024x4096xf32> to vector<8x4096xf32>
    %add3A_857 = arith.addf %add3A_855, %slice3A_856 : vector<8x4096xf32>
    %lt3A_858 = arith.cmpf olt, %add3A_857, %min3A_852 : vector<8x4096xf32>
    %slice3A_859 = vector.extract_strided_slice %get3A_13 {offsets = [608, 0], sizes = [8, 1], strides = [1, 1]} : vector<1024x1xf32> to vector<8x1xf32>
    %broadcast_in_dim3A_860 = vector.shape_cast %slice3A_859 : vector<8x1xf32> to vector<8x1xf32>
    %broadcast_in_dim3A_861 = vector.broadcast %broadcast_in_dim3A_860 : vector<8x1xf32> to vector<8x4096xf32>
    %select_n3A_862 = arith.select %lt3A_858, %broadcast_in_dim3A_861, %select_n3A_851 : vector<8x4096xi1>, vector<8x4096xf32>
    %min3A_863 = arith.minimumf %min3A_852, %add3A_857 : vector<8x4096xf32>
    %slice3A_864 = vector.extract_strided_slice %get3A_10 {offsets = [616, 0], sizes = [8, 1], strides = [1, 1]} : vector<1024x1xf32> to vector<8x1xf32>
    %add3A_865 = vector.broadcast %slice3A_864 : vector<8x1xf32> to vector<8x4096xf32>
    %add3A_866 = arith.addf %broadcast_in_dim3A_17, %add3A_865 : vector<8x4096xf32>
    %slice3A_867 = vector.extract_strided_slice %dot_general3A_7 {offsets = [616, 0], sizes = [8, 4096], strides = [1, 1]} : vector<1024x4096xf32> to vector<8x4096xf32>
    %add3A_868 = arith.addf %add3A_866, %slice3A_867 : vector<8x4096xf32>
    %lt3A_869 = arith.cmpf olt, %add3A_868, %min3A_863 : vector<8x4096xf32>
    %slice3A_870 = vector.extract_strided_slice %get3A_13 {offsets = [616, 0], sizes = [8, 1], strides = [1, 1]} : vector<1024x1xf32> to vector<8x1xf32>
    %broadcast_in_dim3A_871 = vector.shape_cast %slice3A_870 : vector<8x1xf32> to vector<8x1xf32>
    %broadcast_in_dim3A_872 = vector.broadcast %broadcast_in_dim3A_871 : vector<8x1xf32> to vector<8x4096xf32>
    %select_n3A_873 = arith.select %lt3A_869, %broadcast_in_dim3A_872, %select_n3A_862 : vector<8x4096xi1>, vector<8x4096xf32>
    %min3A_874 = arith.minimumf %min3A_863, %add3A_868 : vector<8x4096xf32>
    %slice3A_875 = vector.extract_strided_slice %get3A_10 {offsets = [624, 0], sizes = [8, 1], strides = [1, 1]} : vector<1024x1xf32> to vector<8x1xf32>
    %add3A_876 = vector.broadcast %slice3A_875 : vector<8x1xf32> to vector<8x4096xf32>
    %add3A_877 = arith.addf %broadcast_in_dim3A_17, %add3A_876 : vector<8x4096xf32>
    %slice3A_878 = vector.extract_strided_slice %dot_general3A_7 {offsets = [624, 0], sizes = [8, 4096], strides = [1, 1]} : vector<1024x4096xf32> to vector<8x4096xf32>
    %add3A_879 = arith.addf %add3A_877, %slice3A_878 : vector<8x4096xf32>
    %lt3A_880 = arith.cmpf olt, %add3A_879, %min3A_874 : vector<8x4096xf32>
    %slice3A_881 = vector.extract_strided_slice %get3A_13 {offsets = [624, 0], sizes = [8, 1], strides = [1, 1]} : vector<1024x1xf32> to vector<8x1xf32>
    %broadcast_in_dim3A_882 = vector.shape_cast %slice3A_881 : vector<8x1xf32> to vector<8x1xf32>
    %broadcast_in_dim3A_883 = vector.broadcast %broadcast_in_dim3A_882 : vector<8x1xf32> to vector<8x4096xf32>
    %select_n3A_884 = arith.select %lt3A_880, %broadcast_in_dim3A_883, %select_n3A_873 : vector<8x4096xi1>, vector<8x4096xf32>
    %min3A_885 = arith.minimumf %min3A_874, %add3A_879 : vector<8x4096xf32>
    %slice3A_886 = vector.extract_strided_slice %get3A_10 {offsets = [632, 0], sizes = [8, 1], strides = [1, 1]} : vector<1024x1xf32> to vector<8x1xf32>
    %add3A_887 = vector.broadcast %slice3A_886 : vector<8x1xf32> to vector<8x4096xf32>
    %add3A_888 = arith.addf %broadcast_in_dim3A_17, %add3A_887 : vector<8x4096xf32>
    %slice3A_889 = vector.extract_strided_slice %dot_general3A_7 {offsets = [632, 0], sizes = [8, 4096], strides = [1, 1]} : vector<1024x4096xf32> to vector<8x4096xf32>
    %add3A_890 = arith.addf %add3A_888, %slice3A_889 : vector<8x4096xf32>
    %lt3A_891 = arith.cmpf olt, %add3A_890, %min3A_885 : vector<8x4096xf32>
    %slice3A_892 = vector.extract_strided_slice %get3A_13 {offsets = [632, 0], sizes = [8, 1], strides = [1, 1]} : vector<1024x1xf32> to vector<8x1xf32>
    %broadcast_in_dim3A_893 = vector.shape_cast %slice3A_892 : vector<8x1xf32> to vector<8x1xf32>
    %broadcast_in_dim3A_894 = vector.broadcast %broadcast_in_dim3A_893 : vector<8x1xf32> to vector<8x4096xf32>
    %select_n3A_895 = arith.select %lt3A_891, %broadcast_in_dim3A_894, %select_n3A_884 : vector<8x4096xi1>, vector<8x4096xf32>
    %min3A_896 = arith.minimumf %min3A_885, %add3A_890 : vector<8x4096xf32>
    %slice3A_897 = vector.extract_strided_slice %get3A_10 {offsets = [640, 0], sizes = [8, 1], strides = [1, 1]} : vector<1024x1xf32> to vector<8x1xf32>
    %add3A_898 = vector.broadcast %slice3A_897 : vector<8x1xf32> to vector<8x4096xf32>
    %add3A_899 = arith.addf %broadcast_in_dim3A_17, %add3A_898 : vector<8x4096xf32>
    %slice3A_900 = vector.extract_strided_slice %dot_general3A_7 {offsets = [640, 0], sizes = [8, 4096], strides = [1, 1]} : vector<1024x4096xf32> to vector<8x4096xf32>
    %add3A_901 = arith.addf %add3A_899, %slice3A_900 : vector<8x4096xf32>
    %lt3A_902 = arith.cmpf olt, %add3A_901, %min3A_896 : vector<8x4096xf32>
    %slice3A_903 = vector.extract_strided_slice %get3A_13 {offsets = [640, 0], sizes = [8, 1], strides = [1, 1]} : vector<1024x1xf32> to vector<8x1xf32>
    %broadcast_in_dim3A_904 = vector.shape_cast %slice3A_903 : vector<8x1xf32> to vector<8x1xf32>
    %broadcast_in_dim3A_905 = vector.broadcast %broadcast_in_dim3A_904 : vector<8x1xf32> to vector<8x4096xf32>
    %select_n3A_906 = arith.select %lt3A_902, %broadcast_in_dim3A_905, %select_n3A_895 : vector<8x4096xi1>, vector<8x4096xf32>
    %min3A_907 = arith.minimumf %min3A_896, %add3A_901 : vector<8x4096xf32>
    %slice3A_908 = vector.extract_strided_slice %get3A_10 {offsets = [648, 0], sizes = [8, 1], strides = [1, 1]} : vector<1024x1xf32> to vector<8x1xf32>
    %add3A_909 = vector.broadcast %slice3A_908 : vector<8x1xf32> to vector<8x4096xf32>
    %add3A_910 = arith.addf %broadcast_in_dim3A_17, %add3A_909 : vector<8x4096xf32>
    %slice3A_911 = vector.extract_strided_slice %dot_general3A_7 {offsets = [648, 0], sizes = [8, 4096], strides = [1, 1]} : vector<1024x4096xf32> to vector<8x4096xf32>
    %add3A_912 = arith.addf %add3A_910, %slice3A_911 : vector<8x4096xf32>
    %lt3A_913 = arith.cmpf olt, %add3A_912, %min3A_907 : vector<8x4096xf32>
    %slice3A_914 = vector.extract_strided_slice %get3A_13 {offsets = [648, 0], sizes = [8, 1], strides = [1, 1]} : vector<1024x1xf32> to vector<8x1xf32>
    %broadcast_in_dim3A_915 = vector.shape_cast %slice3A_914 : vector<8x1xf32> to vector<8x1xf32>
    %broadcast_in_dim3A_916 = vector.broadcast %broadcast_in_dim3A_915 : vector<8x1xf32> to vector<8x4096xf32>
    %select_n3A_917 = arith.select %lt3A_913, %broadcast_in_dim3A_916, %select_n3A_906 : vector<8x4096xi1>, vector<8x4096xf32>
    %min3A_918 = arith.minimumf %min3A_907, %add3A_912 : vector<8x4096xf32>
    %slice3A_919 = vector.extract_strided_slice %get3A_10 {offsets = [656, 0], sizes = [8, 1], strides = [1, 1]} : vector<1024x1xf32> to vector<8x1xf32>
    %add3A_920 = vector.broadcast %slice3A_919 : vector<8x1xf32> to vector<8x4096xf32>
    %add3A_921 = arith.addf %broadcast_in_dim3A_17, %add3A_920 : vector<8x4096xf32>
    %slice3A_922 = vector.extract_strided_slice %dot_general3A_7 {offsets = [656, 0], sizes = [8, 4096], strides = [1, 1]} : vector<1024x4096xf32> to vector<8x4096xf32>
    %add3A_923 = arith.addf %add3A_921, %slice3A_922 : vector<8x4096xf32>
    %lt3A_924 = arith.cmpf olt, %add3A_923, %min3A_918 : vector<8x4096xf32>
    %slice3A_925 = vector.extract_strided_slice %get3A_13 {offsets = [656, 0], sizes = [8, 1], strides = [1, 1]} : vector<1024x1xf32> to vector<8x1xf32>
    %broadcast_in_dim3A_926 = vector.shape_cast %slice3A_925 : vector<8x1xf32> to vector<8x1xf32>
    %broadcast_in_dim3A_927 = vector.broadcast %broadcast_in_dim3A_926 : vector<8x1xf32> to vector<8x4096xf32>
    %select_n3A_928 = arith.select %lt3A_924, %broadcast_in_dim3A_927, %select_n3A_917 : vector<8x4096xi1>, vector<8x4096xf32>
    %min3A_929 = arith.minimumf %min3A_918, %add3A_923 : vector<8x4096xf32>
    %slice3A_930 = vector.extract_strided_slice %get3A_10 {offsets = [664, 0], sizes = [8, 1], strides = [1, 1]} : vector<1024x1xf32> to vector<8x1xf32>
    %add3A_931 = vector.broadcast %slice3A_930 : vector<8x1xf32> to vector<8x4096xf32>
    %add3A_932 = arith.addf %broadcast_in_dim3A_17, %add3A_931 : vector<8x4096xf32>
    %slice3A_933 = vector.extract_strided_slice %dot_general3A_7 {offsets = [664, 0], sizes = [8, 4096], strides = [1, 1]} : vector<1024x4096xf32> to vector<8x4096xf32>
    %add3A_934 = arith.addf %add3A_932, %slice3A_933 : vector<8x4096xf32>
    %lt3A_935 = arith.cmpf olt, %add3A_934, %min3A_929 : vector<8x4096xf32>
    %slice3A_936 = vector.extract_strided_slice %get3A_13 {offsets = [664, 0], sizes = [8, 1], strides = [1, 1]} : vector<1024x1xf32> to vector<8x1xf32>
    %broadcast_in_dim3A_937 = vector.shape_cast %slice3A_936 : vector<8x1xf32> to vector<8x1xf32>
    %broadcast_in_dim3A_938 = vector.broadcast %broadcast_in_dim3A_937 : vector<8x1xf32> to vector<8x4096xf32>
    %select_n3A_939 = arith.select %lt3A_935, %broadcast_in_dim3A_938, %select_n3A_928 : vector<8x4096xi1>, vector<8x4096xf32>
    %min3A_940 = arith.minimumf %min3A_929, %add3A_934 : vector<8x4096xf32>
    %slice3A_941 = vector.extract_strided_slice %get3A_10 {offsets = [672, 0], sizes = [8, 1], strides = [1, 1]} : vector<1024x1xf32> to vector<8x1xf32>
    %add3A_942 = vector.broadcast %slice3A_941 : vector<8x1xf32> to vector<8x4096xf32>
    %add3A_943 = arith.addf %broadcast_in_dim3A_17, %add3A_942 : vector<8x4096xf32>
    %slice3A_944 = vector.extract_strided_slice %dot_general3A_7 {offsets = [672, 0], sizes = [8, 4096], strides = [1, 1]} : vector<1024x4096xf32> to vector<8x4096xf32>
    %add3A_945 = arith.addf %add3A_943, %slice3A_944 : vector<8x4096xf32>
    %lt3A_946 = arith.cmpf olt, %add3A_945, %min3A_940 : vector<8x4096xf32>
    %slice3A_947 = vector.extract_strided_slice %get3A_13 {offsets = [672, 0], sizes = [8, 1], strides = [1, 1]} : vector<1024x1xf32> to vector<8x1xf32>
    %broadcast_in_dim3A_948 = vector.shape_cast %slice3A_947 : vector<8x1xf32> to vector<8x1xf32>
    %broadcast_in_dim3A_949 = vector.broadcast %broadcast_in_dim3A_948 : vector<8x1xf32> to vector<8x4096xf32>
    %select_n3A_950 = arith.select %lt3A_946, %broadcast_in_dim3A_949, %select_n3A_939 : vector<8x4096xi1>, vector<8x4096xf32>
    %min3A_951 = arith.minimumf %min3A_940, %add3A_945 : vector<8x4096xf32>
    %slice3A_952 = vector.extract_strided_slice %get3A_10 {offsets = [680, 0], sizes = [8, 1], strides = [1, 1]} : vector<1024x1xf32> to vector<8x1xf32>
    %add3A_953 = vector.broadcast %slice3A_952 : vector<8x1xf32> to vector<8x4096xf32>
    %add3A_954 = arith.addf %broadcast_in_dim3A_17, %add3A_953 : vector<8x4096xf32>
    %slice3A_955 = vector.extract_strided_slice %dot_general3A_7 {offsets = [680, 0], sizes = [8, 4096], strides = [1, 1]} : vector<1024x4096xf32> to vector<8x4096xf32>
    %add3A_956 = arith.addf %add3A_954, %slice3A_955 : vector<8x4096xf32>
    %lt3A_957 = arith.cmpf olt, %add3A_956, %min3A_951 : vector<8x4096xf32>
    %slice3A_958 = vector.extract_strided_slice %get3A_13 {offsets = [680, 0], sizes = [8, 1], strides = [1, 1]} : vector<1024x1xf32> to vector<8x1xf32>
    %broadcast_in_dim3A_959 = vector.shape_cast %slice3A_958 : vector<8x1xf32> to vector<8x1xf32>
    %broadcast_in_dim3A_960 = vector.broadcast %broadcast_in_dim3A_959 : vector<8x1xf32> to vector<8x4096xf32>
    %select_n3A_961 = arith.select %lt3A_957, %broadcast_in_dim3A_960, %select_n3A_950 : vector<8x4096xi1>, vector<8x4096xf32>
    %min3A_962 = arith.minimumf %min3A_951, %add3A_956 : vector<8x4096xf32>
    %slice3A_963 = vector.extract_strided_slice %get3A_10 {offsets = [688, 0], sizes = [8, 1], strides = [1, 1]} : vector<1024x1xf32> to vector<8x1xf32>
    %add3A_964 = vector.broadcast %slice3A_963 : vector<8x1xf32> to vector<8x4096xf32>
    %add3A_965 = arith.addf %broadcast_in_dim3A_17, %add3A_964 : vector<8x4096xf32>
    %slice3A_966 = vector.extract_strided_slice %dot_general3A_7 {offsets = [688, 0], sizes = [8, 4096], strides = [1, 1]} : vector<1024x4096xf32> to vector<8x4096xf32>
    %add3A_967 = arith.addf %add3A_965, %slice3A_966 : vector<8x4096xf32>
    %lt3A_968 = arith.cmpf olt, %add3A_967, %min3A_962 : vector<8x4096xf32>
    %slice3A_969 = vector.extract_strided_slice %get3A_13 {offsets = [688, 0], sizes = [8, 1], strides = [1, 1]} : vector<1024x1xf32> to vector<8x1xf32>
    %broadcast_in_dim3A_970 = vector.shape_cast %slice3A_969 : vector<8x1xf32> to vector<8x1xf32>
    %broadcast_in_dim3A_971 = vector.broadcast %broadcast_in_dim3A_970 : vector<8x1xf32> to vector<8x4096xf32>
    %select_n3A_972 = arith.select %lt3A_968, %broadcast_in_dim3A_971, %select_n3A_961 : vector<8x4096xi1>, vector<8x4096xf32>
    %min3A_973 = arith.minimumf %min3A_962, %add3A_967 : vector<8x4096xf32>
    %slice3A_974 = vector.extract_strided_slice %get3A_10 {offsets = [696, 0], sizes = [8, 1], strides = [1, 1]} : vector<1024x1xf32> to vector<8x1xf32>
    %add3A_975 = vector.broadcast %slice3A_974 : vector<8x1xf32> to vector<8x4096xf32>
    %add3A_976 = arith.addf %broadcast_in_dim3A_17, %add3A_975 : vector<8x4096xf32>
    %slice3A_977 = vector.extract_strided_slice %dot_general3A_7 {offsets = [696, 0], sizes = [8, 4096], strides = [1, 1]} : vector<1024x4096xf32> to vector<8x4096xf32>
    %add3A_978 = arith.addf %add3A_976, %slice3A_977 : vector<8x4096xf32>
    %lt3A_979 = arith.cmpf olt, %add3A_978, %min3A_973 : vector<8x4096xf32>
    %slice3A_980 = vector.extract_strided_slice %get3A_13 {offsets = [696, 0], sizes = [8, 1], strides = [1, 1]} : vector<1024x1xf32> to vector<8x1xf32>
    %broadcast_in_dim3A_981 = vector.shape_cast %slice3A_980 : vector<8x1xf32> to vector<8x1xf32>
    %broadcast_in_dim3A_982 = vector.broadcast %broadcast_in_dim3A_981 : vector<8x1xf32> to vector<8x4096xf32>
    %select_n3A_983 = arith.select %lt3A_979, %broadcast_in_dim3A_982, %select_n3A_972 : vector<8x4096xi1>, vector<8x4096xf32>
    %min3A_984 = arith.minimumf %min3A_973, %add3A_978 : vector<8x4096xf32>
    %slice3A_985 = vector.extract_strided_slice %get3A_10 {offsets = [704, 0], sizes = [8, 1], strides = [1, 1]} : vector<1024x1xf32> to vector<8x1xf32>
    %add3A_986 = vector.broadcast %slice3A_985 : vector<8x1xf32> to vector<8x4096xf32>
    %add3A_987 = arith.addf %broadcast_in_dim3A_17, %add3A_986 : vector<8x4096xf32>
    %slice3A_988 = vector.extract_strided_slice %dot_general3A_7 {offsets = [704, 0], sizes = [8, 4096], strides = [1, 1]} : vector<1024x4096xf32> to vector<8x4096xf32>
    %add3A_989 = arith.addf %add3A_987, %slice3A_988 : vector<8x4096xf32>
    %lt3A_990 = arith.cmpf olt, %add3A_989, %min3A_984 : vector<8x4096xf32>
    %slice3A_991 = vector.extract_strided_slice %get3A_13 {offsets = [704, 0], sizes = [8, 1], strides = [1, 1]} : vector<1024x1xf32> to vector<8x1xf32>
    %broadcast_in_dim3A_992 = vector.shape_cast %slice3A_991 : vector<8x1xf32> to vector<8x1xf32>
    %broadcast_in_dim3A_993 = vector.broadcast %broadcast_in_dim3A_992 : vector<8x1xf32> to vector<8x4096xf32>
    %select_n3A_994 = arith.select %lt3A_990, %broadcast_in_dim3A_993, %select_n3A_983 : vector<8x4096xi1>, vector<8x4096xf32>
    %min3A_995 = arith.minimumf %min3A_984, %add3A_989 : vector<8x4096xf32>
    %slice3A_996 = vector.extract_strided_slice %get3A_10 {offsets = [712, 0], sizes = [8, 1], strides = [1, 1]} : vector<1024x1xf32> to vector<8x1xf32>
    %add3A_997 = vector.broadcast %slice3A_996 : vector<8x1xf32> to vector<8x4096xf32>
    %add3A_998 = arith.addf %broadcast_in_dim3A_17, %add3A_997 : vector<8x4096xf32>
    %slice3A_999 = vector.extract_strided_slice %dot_general3A_7 {offsets = [712, 0], sizes = [8, 4096], strides = [1, 1]} : vector<1024x4096xf32> to vector<8x4096xf32>
    %add3A_1000 = arith.addf %add3A_998, %slice3A_999 : vector<8x4096xf32>
    %lt3A_1001 = arith.cmpf olt, %add3A_1000, %min3A_995 : vector<8x4096xf32>
    %slice3A_1002 = vector.extract_strided_slice %get3A_13 {offsets = [712, 0], sizes = [8, 1], strides = [1, 1]} : vector<1024x1xf32> to vector<8x1xf32>
    %broadcast_in_dim3A_1003 = vector.shape_cast %slice3A_1002 : vector<8x1xf32> to vector<8x1xf32>
    %broadcast_in_dim3A_1004 = vector.broadcast %broadcast_in_dim3A_1003 : vector<8x1xf32> to vector<8x4096xf32>
    %select_n3A_1005 = arith.select %lt3A_1001, %broadcast_in_dim3A_1004, %select_n3A_994 : vector<8x4096xi1>, vector<8x4096xf32>
    %min3A_1006 = arith.minimumf %min3A_995, %add3A_1000 : vector<8x4096xf32>
    %slice3A_1007 = vector.extract_strided_slice %get3A_10 {offsets = [720, 0], sizes = [8, 1], strides = [1, 1]} : vector<1024x1xf32> to vector<8x1xf32>
    %add3A_1008 = vector.broadcast %slice3A_1007 : vector<8x1xf32> to vector<8x4096xf32>
    %add3A_1009 = arith.addf %broadcast_in_dim3A_17, %add3A_1008 : vector<8x4096xf32>
    %slice3A_1010 = vector.extract_strided_slice %dot_general3A_7 {offsets = [720, 0], sizes = [8, 4096], strides = [1, 1]} : vector<1024x4096xf32> to vector<8x4096xf32>
    %add3A_1011 = arith.addf %add3A_1009, %slice3A_1010 : vector<8x4096xf32>
    %lt3A_1012 = arith.cmpf olt, %add3A_1011, %min3A_1006 : vector<8x4096xf32>
    %slice3A_1013 = vector.extract_strided_slice %get3A_13 {offsets = [720, 0], sizes = [8, 1], strides = [1, 1]} : vector<1024x1xf32> to vector<8x1xf32>
    %broadcast_in_dim3A_1014 = vector.shape_cast %slice3A_1013 : vector<8x1xf32> to vector<8x1xf32>
    %broadcast_in_dim3A_1015 = vector.broadcast %broadcast_in_dim3A_1014 : vector<8x1xf32> to vector<8x4096xf32>
    %select_n3A_1016 = arith.select %lt3A_1012, %broadcast_in_dim3A_1015, %select_n3A_1005 : vector<8x4096xi1>, vector<8x4096xf32>
    %min3A_1017 = arith.minimumf %min3A_1006, %add3A_1011 : vector<8x4096xf32>
    %slice3A_1018 = vector.extract_strided_slice %get3A_10 {offsets = [728, 0], sizes = [8, 1], strides = [1, 1]} : vector<1024x1xf32> to vector<8x1xf32>
    %add3A_1019 = vector.broadcast %slice3A_1018 : vector<8x1xf32> to vector<8x4096xf32>
    %add3A_1020 = arith.addf %broadcast_in_dim3A_17, %add3A_1019 : vector<8x4096xf32>
    %slice3A_1021 = vector.extract_strided_slice %dot_general3A_7 {offsets = [728, 0], sizes = [8, 4096], strides = [1, 1]} : vector<1024x4096xf32> to vector<8x4096xf32>
    %add3A_1022 = arith.addf %add3A_1020, %slice3A_1021 : vector<8x4096xf32>
    %lt3A_1023 = arith.cmpf olt, %add3A_1022, %min3A_1017 : vector<8x4096xf32>
    %slice3A_1024 = vector.extract_strided_slice %get3A_13 {offsets = [728, 0], sizes = [8, 1], strides = [1, 1]} : vector<1024x1xf32> to vector<8x1xf32>
    %broadcast_in_dim3A_1025 = vector.shape_cast %slice3A_1024 : vector<8x1xf32> to vector<8x1xf32>
    %broadcast_in_dim3A_1026 = vector.broadcast %broadcast_in_dim3A_1025 : vector<8x1xf32> to vector<8x4096xf32>
    %select_n3A_1027 = arith.select %lt3A_1023, %broadcast_in_dim3A_1026, %select_n3A_1016 : vector<8x4096xi1>, vector<8x4096xf32>
    %min3A_1028 = arith.minimumf %min3A_1017, %add3A_1022 : vector<8x4096xf32>
    %slice3A_1029 = vector.extract_strided_slice %get3A_10 {offsets = [736, 0], sizes = [8, 1], strides = [1, 1]} : vector<1024x1xf32> to vector<8x1xf32>
    %add3A_1030 = vector.broadcast %slice3A_1029 : vector<8x1xf32> to vector<8x4096xf32>
    %add3A_1031 = arith.addf %broadcast_in_dim3A_17, %add3A_1030 : vector<8x4096xf32>
    %slice3A_1032 = vector.extract_strided_slice %dot_general3A_7 {offsets = [736, 0], sizes = [8, 4096], strides = [1, 1]} : vector<1024x4096xf32> to vector<8x4096xf32>
    %add3A_1033 = arith.addf %add3A_1031, %slice3A_1032 : vector<8x4096xf32>
    %lt3A_1034 = arith.cmpf olt, %add3A_1033, %min3A_1028 : vector<8x4096xf32>
    %slice3A_1035 = vector.extract_strided_slice %get3A_13 {offsets = [736, 0], sizes = [8, 1], strides = [1, 1]} : vector<1024x1xf32> to vector<8x1xf32>
    %broadcast_in_dim3A_1036 = vector.shape_cast %slice3A_1035 : vector<8x1xf32> to vector<8x1xf32>
    %broadcast_in_dim3A_1037 = vector.broadcast %broadcast_in_dim3A_1036 : vector<8x1xf32> to vector<8x4096xf32>
    %select_n3A_1038 = arith.select %lt3A_1034, %broadcast_in_dim3A_1037, %select_n3A_1027 : vector<8x4096xi1>, vector<8x4096xf32>
    %min3A_1039 = arith.minimumf %min3A_1028, %add3A_1033 : vector<8x4096xf32>
    %slice3A_1040 = vector.extract_strided_slice %get3A_10 {offsets = [744, 0], sizes = [8, 1], strides = [1, 1]} : vector<1024x1xf32> to vector<8x1xf32>
    %add3A_1041 = vector.broadcast %slice3A_1040 : vector<8x1xf32> to vector<8x4096xf32>
    %add3A_1042 = arith.addf %broadcast_in_dim3A_17, %add3A_1041 : vector<8x4096xf32>
    %slice3A_1043 = vector.extract_strided_slice %dot_general3A_7 {offsets = [744, 0], sizes = [8, 4096], strides = [1, 1]} : vector<1024x4096xf32> to vector<8x4096xf32>
    %add3A_1044 = arith.addf %add3A_1042, %slice3A_1043 : vector<8x4096xf32>
    %lt3A_1045 = arith.cmpf olt, %add3A_1044, %min3A_1039 : vector<8x4096xf32>
    %slice3A_1046 = vector.extract_strided_slice %get3A_13 {offsets = [744, 0], sizes = [8, 1], strides = [1, 1]} : vector<1024x1xf32> to vector<8x1xf32>
    %broadcast_in_dim3A_1047 = vector.shape_cast %slice3A_1046 : vector<8x1xf32> to vector<8x1xf32>
    %broadcast_in_dim3A_1048 = vector.broadcast %broadcast_in_dim3A_1047 : vector<8x1xf32> to vector<8x4096xf32>
    %select_n3A_1049 = arith.select %lt3A_1045, %broadcast_in_dim3A_1048, %select_n3A_1038 : vector<8x4096xi1>, vector<8x4096xf32>
    %min3A_1050 = arith.minimumf %min3A_1039, %add3A_1044 : vector<8x4096xf32>
    %slice3A_1051 = vector.extract_strided_slice %get3A_10 {offsets = [752, 0], sizes = [8, 1], strides = [1, 1]} : vector<1024x1xf32> to vector<8x1xf32>
    %add3A_1052 = vector.broadcast %slice3A_1051 : vector<8x1xf32> to vector<8x4096xf32>
    %add3A_1053 = arith.addf %broadcast_in_dim3A_17, %add3A_1052 : vector<8x4096xf32>
    %slice3A_1054 = vector.extract_strided_slice %dot_general3A_7 {offsets = [752, 0], sizes = [8, 4096], strides = [1, 1]} : vector<1024x4096xf32> to vector<8x4096xf32>
    %add3A_1055 = arith.addf %add3A_1053, %slice3A_1054 : vector<8x4096xf32>
    %lt3A_1056 = arith.cmpf olt, %add3A_1055, %min3A_1050 : vector<8x4096xf32>
    %slice3A_1057 = vector.extract_strided_slice %get3A_13 {offsets = [752, 0], sizes = [8, 1], strides = [1, 1]} : vector<1024x1xf32> to vector<8x1xf32>
    %broadcast_in_dim3A_1058 = vector.shape_cast %slice3A_1057 : vector<8x1xf32> to vector<8x1xf32>
    %broadcast_in_dim3A_1059 = vector.broadcast %broadcast_in_dim3A_1058 : vector<8x1xf32> to vector<8x4096xf32>
    %select_n3A_1060 = arith.select %lt3A_1056, %broadcast_in_dim3A_1059, %select_n3A_1049 : vector<8x4096xi1>, vector<8x4096xf32>
    %min3A_1061 = arith.minimumf %min3A_1050, %add3A_1055 : vector<8x4096xf32>
    %slice3A_1062 = vector.extract_strided_slice %get3A_10 {offsets = [760, 0], sizes = [8, 1], strides = [1, 1]} : vector<1024x1xf32> to vector<8x1xf32>
    %add3A_1063 = vector.broadcast %slice3A_1062 : vector<8x1xf32> to vector<8x4096xf32>
    %add3A_1064 = arith.addf %broadcast_in_dim3A_17, %add3A_1063 : vector<8x4096xf32>
    %slice3A_1065 = vector.extract_strided_slice %dot_general3A_7 {offsets = [760, 0], sizes = [8, 4096], strides = [1, 1]} : vector<1024x4096xf32> to vector<8x4096xf32>
    %add3A_1066 = arith.addf %add3A_1064, %slice3A_1065 : vector<8x4096xf32>
    %lt3A_1067 = arith.cmpf olt, %add3A_1066, %min3A_1061 : vector<8x4096xf32>
    %slice3A_1068 = vector.extract_strided_slice %get3A_13 {offsets = [760, 0], sizes = [8, 1], strides = [1, 1]} : vector<1024x1xf32> to vector<8x1xf32>
    %broadcast_in_dim3A_1069 = vector.shape_cast %slice3A_1068 : vector<8x1xf32> to vector<8x1xf32>
    %broadcast_in_dim3A_1070 = vector.broadcast %broadcast_in_dim3A_1069 : vector<8x1xf32> to vector<8x4096xf32>
    %select_n3A_1071 = arith.select %lt3A_1067, %broadcast_in_dim3A_1070, %select_n3A_1060 : vector<8x4096xi1>, vector<8x4096xf32>
    %min3A_1072 = arith.minimumf %min3A_1061, %add3A_1066 : vector<8x4096xf32>
    %slice3A_1073 = vector.extract_strided_slice %get3A_10 {offsets = [768, 0], sizes = [8, 1], strides = [1, 1]} : vector<1024x1xf32> to vector<8x1xf32>
    %add3A_1074 = vector.broadcast %slice3A_1073 : vector<8x1xf32> to vector<8x4096xf32>
    %add3A_1075 = arith.addf %broadcast_in_dim3A_17, %add3A_1074 : vector<8x4096xf32>
    %slice3A_1076 = vector.extract_strided_slice %dot_general3A_7 {offsets = [768, 0], sizes = [8, 4096], strides = [1, 1]} : vector<1024x4096xf32> to vector<8x4096xf32>
    %add3A_1077 = arith.addf %add3A_1075, %slice3A_1076 : vector<8x4096xf32>
    %lt3A_1078 = arith.cmpf olt, %add3A_1077, %min3A_1072 : vector<8x4096xf32>
    %slice3A_1079 = vector.extract_strided_slice %get3A_13 {offsets = [768, 0], sizes = [8, 1], strides = [1, 1]} : vector<1024x1xf32> to vector<8x1xf32>
    %broadcast_in_dim3A_1080 = vector.shape_cast %slice3A_1079 : vector<8x1xf32> to vector<8x1xf32>
    %broadcast_in_dim3A_1081 = vector.broadcast %broadcast_in_dim3A_1080 : vector<8x1xf32> to vector<8x4096xf32>
    %select_n3A_1082 = arith.select %lt3A_1078, %broadcast_in_dim3A_1081, %select_n3A_1071 : vector<8x4096xi1>, vector<8x4096xf32>
    %min3A_1083 = arith.minimumf %min3A_1072, %add3A_1077 : vector<8x4096xf32>
    %slice3A_1084 = vector.extract_strided_slice %get3A_10 {offsets = [776, 0], sizes = [8, 1], strides = [1, 1]} : vector<1024x1xf32> to vector<8x1xf32>
    %add3A_1085 = vector.broadcast %slice3A_1084 : vector<8x1xf32> to vector<8x4096xf32>
    %add3A_1086 = arith.addf %broadcast_in_dim3A_17, %add3A_1085 : vector<8x4096xf32>
    %slice3A_1087 = vector.extract_strided_slice %dot_general3A_7 {offsets = [776, 0], sizes = [8, 4096], strides = [1, 1]} : vector<1024x4096xf32> to vector<8x4096xf32>
    %add3A_1088 = arith.addf %add3A_1086, %slice3A_1087 : vector<8x4096xf32>
    %lt3A_1089 = arith.cmpf olt, %add3A_1088, %min3A_1083 : vector<8x4096xf32>
    %slice3A_1090 = vector.extract_strided_slice %get3A_13 {offsets = [776, 0], sizes = [8, 1], strides = [1, 1]} : vector<1024x1xf32> to vector<8x1xf32>
    %broadcast_in_dim3A_1091 = vector.shape_cast %slice3A_1090 : vector<8x1xf32> to vector<8x1xf32>
    %broadcast_in_dim3A_1092 = vector.broadcast %broadcast_in_dim3A_1091 : vector<8x1xf32> to vector<8x4096xf32>
    %select_n3A_1093 = arith.select %lt3A_1089, %broadcast_in_dim3A_1092, %select_n3A_1082 : vector<8x4096xi1>, vector<8x4096xf32>
    %min3A_1094 = arith.minimumf %min3A_1083, %add3A_1088 : vector<8x4096xf32>
    %slice3A_1095 = vector.extract_strided_slice %get3A_10 {offsets = [784, 0], sizes = [8, 1], strides = [1, 1]} : vector<1024x1xf32> to vector<8x1xf32>
    %add3A_1096 = vector.broadcast %slice3A_1095 : vector<8x1xf32> to vector<8x4096xf32>
    %add3A_1097 = arith.addf %broadcast_in_dim3A_17, %add3A_1096 : vector<8x4096xf32>
    %slice3A_1098 = vector.extract_strided_slice %dot_general3A_7 {offsets = [784, 0], sizes = [8, 4096], strides = [1, 1]} : vector<1024x4096xf32> to vector<8x4096xf32>
    %add3A_1099 = arith.addf %add3A_1097, %slice3A_1098 : vector<8x4096xf32>
    %lt3A_1100 = arith.cmpf olt, %add3A_1099, %min3A_1094 : vector<8x4096xf32>
    %slice3A_1101 = vector.extract_strided_slice %get3A_13 {offsets = [784, 0], sizes = [8, 1], strides = [1, 1]} : vector<1024x1xf32> to vector<8x1xf32>
    %broadcast_in_dim3A_1102 = vector.shape_cast %slice3A_1101 : vector<8x1xf32> to vector<8x1xf32>
    %broadcast_in_dim3A_1103 = vector.broadcast %broadcast_in_dim3A_1102 : vector<8x1xf32> to vector<8x4096xf32>
    %select_n3A_1104 = arith.select %lt3A_1100, %broadcast_in_dim3A_1103, %select_n3A_1093 : vector<8x4096xi1>, vector<8x4096xf32>
    %min3A_1105 = arith.minimumf %min3A_1094, %add3A_1099 : vector<8x4096xf32>
    %slice3A_1106 = vector.extract_strided_slice %get3A_10 {offsets = [792, 0], sizes = [8, 1], strides = [1, 1]} : vector<1024x1xf32> to vector<8x1xf32>
    %add3A_1107 = vector.broadcast %slice3A_1106 : vector<8x1xf32> to vector<8x4096xf32>
    %add3A_1108 = arith.addf %broadcast_in_dim3A_17, %add3A_1107 : vector<8x4096xf32>
    %slice3A_1109 = vector.extract_strided_slice %dot_general3A_7 {offsets = [792, 0], sizes = [8, 4096], strides = [1, 1]} : vector<1024x4096xf32> to vector<8x4096xf32>
    %add3A_1110 = arith.addf %add3A_1108, %slice3A_1109 : vector<8x4096xf32>
    %lt3A_1111 = arith.cmpf olt, %add3A_1110, %min3A_1105 : vector<8x4096xf32>
    %slice3A_1112 = vector.extract_strided_slice %get3A_13 {offsets = [792, 0], sizes = [8, 1], strides = [1, 1]} : vector<1024x1xf32> to vector<8x1xf32>
    %broadcast_in_dim3A_1113 = vector.shape_cast %slice3A_1112 : vector<8x1xf32> to vector<8x1xf32>
    %broadcast_in_dim3A_1114 = vector.broadcast %broadcast_in_dim3A_1113 : vector<8x1xf32> to vector<8x4096xf32>
    %select_n3A_1115 = arith.select %lt3A_1111, %broadcast_in_dim3A_1114, %select_n3A_1104 : vector<8x4096xi1>, vector<8x4096xf32>
    %min3A_1116 = arith.minimumf %min3A_1105, %add3A_1110 : vector<8x4096xf32>
    %slice3A_1117 = vector.extract_strided_slice %get3A_10 {offsets = [800, 0], sizes = [8, 1], strides = [1, 1]} : vector<1024x1xf32> to vector<8x1xf32>
    %add3A_1118 = vector.broadcast %slice3A_1117 : vector<8x1xf32> to vector<8x4096xf32>
    %add3A_1119 = arith.addf %broadcast_in_dim3A_17, %add3A_1118 : vector<8x4096xf32>
    %slice3A_1120 = vector.extract_strided_slice %dot_general3A_7 {offsets = [800, 0], sizes = [8, 4096], strides = [1, 1]} : vector<1024x4096xf32> to vector<8x4096xf32>
    %add3A_1121 = arith.addf %add3A_1119, %slice3A_1120 : vector<8x4096xf32>
    %lt3A_1122 = arith.cmpf olt, %add3A_1121, %min3A_1116 : vector<8x4096xf32>
    %slice3A_1123 = vector.extract_strided_slice %get3A_13 {offsets = [800, 0], sizes = [8, 1], strides = [1, 1]} : vector<1024x1xf32> to vector<8x1xf32>
    %broadcast_in_dim3A_1124 = vector.shape_cast %slice3A_1123 : vector<8x1xf32> to vector<8x1xf32>
    %broadcast_in_dim3A_1125 = vector.broadcast %broadcast_in_dim3A_1124 : vector<8x1xf32> to vector<8x4096xf32>
    %select_n3A_1126 = arith.select %lt3A_1122, %broadcast_in_dim3A_1125, %select_n3A_1115 : vector<8x4096xi1>, vector<8x4096xf32>
    %min3A_1127 = arith.minimumf %min3A_1116, %add3A_1121 : vector<8x4096xf32>
    %slice3A_1128 = vector.extract_strided_slice %get3A_10 {offsets = [808, 0], sizes = [8, 1], strides = [1, 1]} : vector<1024x1xf32> to vector<8x1xf32>
    %add3A_1129 = vector.broadcast %slice3A_1128 : vector<8x1xf32> to vector<8x4096xf32>
    %add3A_1130 = arith.addf %broadcast_in_dim3A_17, %add3A_1129 : vector<8x4096xf32>
    %slice3A_1131 = vector.extract_strided_slice %dot_general3A_7 {offsets = [808, 0], sizes = [8, 4096], strides = [1, 1]} : vector<1024x4096xf32> to vector<8x4096xf32>
    %add3A_1132 = arith.addf %add3A_1130, %slice3A_1131 : vector<8x4096xf32>
    %lt3A_1133 = arith.cmpf olt, %add3A_1132, %min3A_1127 : vector<8x4096xf32>
    %slice3A_1134 = vector.extract_strided_slice %get3A_13 {offsets = [808, 0], sizes = [8, 1], strides = [1, 1]} : vector<1024x1xf32> to vector<8x1xf32>
    %broadcast_in_dim3A_1135 = vector.shape_cast %slice3A_1134 : vector<8x1xf32> to vector<8x1xf32>
    %broadcast_in_dim3A_1136 = vector.broadcast %broadcast_in_dim3A_1135 : vector<8x1xf32> to vector<8x4096xf32>
    %select_n3A_1137 = arith.select %lt3A_1133, %broadcast_in_dim3A_1136, %select_n3A_1126 : vector<8x4096xi1>, vector<8x4096xf32>
    %min3A_1138 = arith.minimumf %min3A_1127, %add3A_1132 : vector<8x4096xf32>
    %slice3A_1139 = vector.extract_strided_slice %get3A_10 {offsets = [816, 0], sizes = [8, 1], strides = [1, 1]} : vector<1024x1xf32> to vector<8x1xf32>
    %add3A_1140 = vector.broadcast %slice3A_1139 : vector<8x1xf32> to vector<8x4096xf32>
    %add3A_1141 = arith.addf %broadcast_in_dim3A_17, %add3A_1140 : vector<8x4096xf32>
    %slice3A_1142 = vector.extract_strided_slice %dot_general3A_7 {offsets = [816, 0], sizes = [8, 4096], strides = [1, 1]} : vector<1024x4096xf32> to vector<8x4096xf32>
    %add3A_1143 = arith.addf %add3A_1141, %slice3A_1142 : vector<8x4096xf32>
    %lt3A_1144 = arith.cmpf olt, %add3A_1143, %min3A_1138 : vector<8x4096xf32>
    %slice3A_1145 = vector.extract_strided_slice %get3A_13 {offsets = [816, 0], sizes = [8, 1], strides = [1, 1]} : vector<1024x1xf32> to vector<8x1xf32>
    %broadcast_in_dim3A_1146 = vector.shape_cast %slice3A_1145 : vector<8x1xf32> to vector<8x1xf32>
    %broadcast_in_dim3A_1147 = vector.broadcast %broadcast_in_dim3A_1146 : vector<8x1xf32> to vector<8x4096xf32>
    %select_n3A_1148 = arith.select %lt3A_1144, %broadcast_in_dim3A_1147, %select_n3A_1137 : vector<8x4096xi1>, vector<8x4096xf32>
    %min3A_1149 = arith.minimumf %min3A_1138, %add3A_1143 : vector<8x4096xf32>
    %slice3A_1150 = vector.extract_strided_slice %get3A_10 {offsets = [824, 0], sizes = [8, 1], strides = [1, 1]} : vector<1024x1xf32> to vector<8x1xf32>
    %add3A_1151 = vector.broadcast %slice3A_1150 : vector<8x1xf32> to vector<8x4096xf32>
    %add3A_1152 = arith.addf %broadcast_in_dim3A_17, %add3A_1151 : vector<8x4096xf32>
    %slice3A_1153 = vector.extract_strided_slice %dot_general3A_7 {offsets = [824, 0], sizes = [8, 4096], strides = [1, 1]} : vector<1024x4096xf32> to vector<8x4096xf32>
    %add3A_1154 = arith.addf %add3A_1152, %slice3A_1153 : vector<8x4096xf32>
    %lt3A_1155 = arith.cmpf olt, %add3A_1154, %min3A_1149 : vector<8x4096xf32>
    %slice3A_1156 = vector.extract_strided_slice %get3A_13 {offsets = [824, 0], sizes = [8, 1], strides = [1, 1]} : vector<1024x1xf32> to vector<8x1xf32>
    %broadcast_in_dim3A_1157 = vector.shape_cast %slice3A_1156 : vector<8x1xf32> to vector<8x1xf32>
    %broadcast_in_dim3A_1158 = vector.broadcast %broadcast_in_dim3A_1157 : vector<8x1xf32> to vector<8x4096xf32>
    %select_n3A_1159 = arith.select %lt3A_1155, %broadcast_in_dim3A_1158, %select_n3A_1148 : vector<8x4096xi1>, vector<8x4096xf32>
    %min3A_1160 = arith.minimumf %min3A_1149, %add3A_1154 : vector<8x4096xf32>
    %slice3A_1161 = vector.extract_strided_slice %get3A_10 {offsets = [832, 0], sizes = [8, 1], strides = [1, 1]} : vector<1024x1xf32> to vector<8x1xf32>
    %add3A_1162 = vector.broadcast %slice3A_1161 : vector<8x1xf32> to vector<8x4096xf32>
    %add3A_1163 = arith.addf %broadcast_in_dim3A_17, %add3A_1162 : vector<8x4096xf32>
    %slice3A_1164 = vector.extract_strided_slice %dot_general3A_7 {offsets = [832, 0], sizes = [8, 4096], strides = [1, 1]} : vector<1024x4096xf32> to vector<8x4096xf32>
    %add3A_1165 = arith.addf %add3A_1163, %slice3A_1164 : vector<8x4096xf32>
    %lt3A_1166 = arith.cmpf olt, %add3A_1165, %min3A_1160 : vector<8x4096xf32>
    %slice3A_1167 = vector.extract_strided_slice %get3A_13 {offsets = [832, 0], sizes = [8, 1], strides = [1, 1]} : vector<1024x1xf32> to vector<8x1xf32>
    %broadcast_in_dim3A_1168 = vector.shape_cast %slice3A_1167 : vector<8x1xf32> to vector<8x1xf32>
    %broadcast_in_dim3A_1169 = vector.broadcast %broadcast_in_dim3A_1168 : vector<8x1xf32> to vector<8x4096xf32>
    %select_n3A_1170 = arith.select %lt3A_1166, %broadcast_in_dim3A_1169, %select_n3A_1159 : vector<8x4096xi1>, vector<8x4096xf32>
    %min3A_1171 = arith.minimumf %min3A_1160, %add3A_1165 : vector<8x4096xf32>
    %slice3A_1172 = vector.extract_strided_slice %get3A_10 {offsets = [840, 0], sizes = [8, 1], strides = [1, 1]} : vector<1024x1xf32> to vector<8x1xf32>
    %add3A_1173 = vector.broadcast %slice3A_1172 : vector<8x1xf32> to vector<8x4096xf32>
    %add3A_1174 = arith.addf %broadcast_in_dim3A_17, %add3A_1173 : vector<8x4096xf32>
    %slice3A_1175 = vector.extract_strided_slice %dot_general3A_7 {offsets = [840, 0], sizes = [8, 4096], strides = [1, 1]} : vector<1024x4096xf32> to vector<8x4096xf32>
    %add3A_1176 = arith.addf %add3A_1174, %slice3A_1175 : vector<8x4096xf32>
    %lt3A_1177 = arith.cmpf olt, %add3A_1176, %min3A_1171 : vector<8x4096xf32>
    %slice3A_1178 = vector.extract_strided_slice %get3A_13 {offsets = [840, 0], sizes = [8, 1], strides = [1, 1]} : vector<1024x1xf32> to vector<8x1xf32>
    %broadcast_in_dim3A_1179 = vector.shape_cast %slice3A_1178 : vector<8x1xf32> to vector<8x1xf32>
    %broadcast_in_dim3A_1180 = vector.broadcast %broadcast_in_dim3A_1179 : vector<8x1xf32> to vector<8x4096xf32>
    %select_n3A_1181 = arith.select %lt3A_1177, %broadcast_in_dim3A_1180, %select_n3A_1170 : vector<8x4096xi1>, vector<8x4096xf32>
    %min3A_1182 = arith.minimumf %min3A_1171, %add3A_1176 : vector<8x4096xf32>
    %slice3A_1183 = vector.extract_strided_slice %get3A_10 {offsets = [848, 0], sizes = [8, 1], strides = [1, 1]} : vector<1024x1xf32> to vector<8x1xf32>
    %add3A_1184 = vector.broadcast %slice3A_1183 : vector<8x1xf32> to vector<8x4096xf32>
    %add3A_1185 = arith.addf %broadcast_in_dim3A_17, %add3A_1184 : vector<8x4096xf32>
    %slice3A_1186 = vector.extract_strided_slice %dot_general3A_7 {offsets = [848, 0], sizes = [8, 4096], strides = [1, 1]} : vector<1024x4096xf32> to vector<8x4096xf32>
    %add3A_1187 = arith.addf %add3A_1185, %slice3A_1186 : vector<8x4096xf32>
    %lt3A_1188 = arith.cmpf olt, %add3A_1187, %min3A_1182 : vector<8x4096xf32>
    %slice3A_1189 = vector.extract_strided_slice %get3A_13 {offsets = [848, 0], sizes = [8, 1], strides = [1, 1]} : vector<1024x1xf32> to vector<8x1xf32>
    %broadcast_in_dim3A_1190 = vector.shape_cast %slice3A_1189 : vector<8x1xf32> to vector<8x1xf32>
    %broadcast_in_dim3A_1191 = vector.broadcast %broadcast_in_dim3A_1190 : vector<8x1xf32> to vector<8x4096xf32>
    %select_n3A_1192 = arith.select %lt3A_1188, %broadcast_in_dim3A_1191, %select_n3A_1181 : vector<8x4096xi1>, vector<8x4096xf32>
    %min3A_1193 = arith.minimumf %min3A_1182, %add3A_1187 : vector<8x4096xf32>
    %slice3A_1194 = vector.extract_strided_slice %get3A_10 {offsets = [856, 0], sizes = [8, 1], strides = [1, 1]} : vector<1024x1xf32> to vector<8x1xf32>
    %add3A_1195 = vector.broadcast %slice3A_1194 : vector<8x1xf32> to vector<8x4096xf32>
    %add3A_1196 = arith.addf %broadcast_in_dim3A_17, %add3A_1195 : vector<8x4096xf32>
    %slice3A_1197 = vector.extract_strided_slice %dot_general3A_7 {offsets = [856, 0], sizes = [8, 4096], strides = [1, 1]} : vector<1024x4096xf32> to vector<8x4096xf32>
    %add3A_1198 = arith.addf %add3A_1196, %slice3A_1197 : vector<8x4096xf32>
    %lt3A_1199 = arith.cmpf olt, %add3A_1198, %min3A_1193 : vector<8x4096xf32>
    %slice3A_1200 = vector.extract_strided_slice %get3A_13 {offsets = [856, 0], sizes = [8, 1], strides = [1, 1]} : vector<1024x1xf32> to vector<8x1xf32>
    %broadcast_in_dim3A_1201 = vector.shape_cast %slice3A_1200 : vector<8x1xf32> to vector<8x1xf32>
    %broadcast_in_dim3A_1202 = vector.broadcast %broadcast_in_dim3A_1201 : vector<8x1xf32> to vector<8x4096xf32>
    %select_n3A_1203 = arith.select %lt3A_1199, %broadcast_in_dim3A_1202, %select_n3A_1192 : vector<8x4096xi1>, vector<8x4096xf32>
    %min3A_1204 = arith.minimumf %min3A_1193, %add3A_1198 : vector<8x4096xf32>
    %slice3A_1205 = vector.extract_strided_slice %get3A_10 {offsets = [864, 0], sizes = [8, 1], strides = [1, 1]} : vector<1024x1xf32> to vector<8x1xf32>
    %add3A_1206 = vector.broadcast %slice3A_1205 : vector<8x1xf32> to vector<8x4096xf32>
    %add3A_1207 = arith.addf %broadcast_in_dim3A_17, %add3A_1206 : vector<8x4096xf32>
    %slice3A_1208 = vector.extract_strided_slice %dot_general3A_7 {offsets = [864, 0], sizes = [8, 4096], strides = [1, 1]} : vector<1024x4096xf32> to vector<8x4096xf32>
    %add3A_1209 = arith.addf %add3A_1207, %slice3A_1208 : vector<8x4096xf32>
    %lt3A_1210 = arith.cmpf olt, %add3A_1209, %min3A_1204 : vector<8x4096xf32>
    %slice3A_1211 = vector.extract_strided_slice %get3A_13 {offsets = [864, 0], sizes = [8, 1], strides = [1, 1]} : vector<1024x1xf32> to vector<8x1xf32>
    %broadcast_in_dim3A_1212 = vector.shape_cast %slice3A_1211 : vector<8x1xf32> to vector<8x1xf32>
    %broadcast_in_dim3A_1213 = vector.broadcast %broadcast_in_dim3A_1212 : vector<8x1xf32> to vector<8x4096xf32>
    %select_n3A_1214 = arith.select %lt3A_1210, %broadcast_in_dim3A_1213, %select_n3A_1203 : vector<8x4096xi1>, vector<8x4096xf32>
    %min3A_1215 = arith.minimumf %min3A_1204, %add3A_1209 : vector<8x4096xf32>
    %slice3A_1216 = vector.extract_strided_slice %get3A_10 {offsets = [872, 0], sizes = [8, 1], strides = [1, 1]} : vector<1024x1xf32> to vector<8x1xf32>
    %add3A_1217 = vector.broadcast %slice3A_1216 : vector<8x1xf32> to vector<8x4096xf32>
    %add3A_1218 = arith.addf %broadcast_in_dim3A_17, %add3A_1217 : vector<8x4096xf32>
    %slice3A_1219 = vector.extract_strided_slice %dot_general3A_7 {offsets = [872, 0], sizes = [8, 4096], strides = [1, 1]} : vector<1024x4096xf32> to vector<8x4096xf32>
    %add3A_1220 = arith.addf %add3A_1218, %slice3A_1219 : vector<8x4096xf32>
    %lt3A_1221 = arith.cmpf olt, %add3A_1220, %min3A_1215 : vector<8x4096xf32>
    %slice3A_1222 = vector.extract_strided_slice %get3A_13 {offsets = [872, 0], sizes = [8, 1], strides = [1, 1]} : vector<1024x1xf32> to vector<8x1xf32>
    %broadcast_in_dim3A_1223 = vector.shape_cast %slice3A_1222 : vector<8x1xf32> to vector<8x1xf32>
    %broadcast_in_dim3A_1224 = vector.broadcast %broadcast_in_dim3A_1223 : vector<8x1xf32> to vector<8x4096xf32>
    %select_n3A_1225 = arith.select %lt3A_1221, %broadcast_in_dim3A_1224, %select_n3A_1214 : vector<8x4096xi1>, vector<8x4096xf32>
    %min3A_1226 = arith.minimumf %min3A_1215, %add3A_1220 : vector<8x4096xf32>
    %slice3A_1227 = vector.extract_strided_slice %get3A_10 {offsets = [880, 0], sizes = [8, 1], strides = [1, 1]} : vector<1024x1xf32> to vector<8x1xf32>
    %add3A_1228 = vector.broadcast %slice3A_1227 : vector<8x1xf32> to vector<8x4096xf32>
    %add3A_1229 = arith.addf %broadcast_in_dim3A_17, %add3A_1228 : vector<8x4096xf32>
    %slice3A_1230 = vector.extract_strided_slice %dot_general3A_7 {offsets = [880, 0], sizes = [8, 4096], strides = [1, 1]} : vector<1024x4096xf32> to vector<8x4096xf32>
    %add3A_1231 = arith.addf %add3A_1229, %slice3A_1230 : vector<8x4096xf32>
    %lt3A_1232 = arith.cmpf olt, %add3A_1231, %min3A_1226 : vector<8x4096xf32>
    %slice3A_1233 = vector.extract_strided_slice %get3A_13 {offsets = [880, 0], sizes = [8, 1], strides = [1, 1]} : vector<1024x1xf32> to vector<8x1xf32>
    %broadcast_in_dim3A_1234 = vector.shape_cast %slice3A_1233 : vector<8x1xf32> to vector<8x1xf32>
    %broadcast_in_dim3A_1235 = vector.broadcast %broadcast_in_dim3A_1234 : vector<8x1xf32> to vector<8x4096xf32>
    %select_n3A_1236 = arith.select %lt3A_1232, %broadcast_in_dim3A_1235, %select_n3A_1225 : vector<8x4096xi1>, vector<8x4096xf32>
    %min3A_1237 = arith.minimumf %min3A_1226, %add3A_1231 : vector<8x4096xf32>
    %slice3A_1238 = vector.extract_strided_slice %get3A_10 {offsets = [888, 0], sizes = [8, 1], strides = [1, 1]} : vector<1024x1xf32> to vector<8x1xf32>
    %add3A_1239 = vector.broadcast %slice3A_1238 : vector<8x1xf32> to vector<8x4096xf32>
    %add3A_1240 = arith.addf %broadcast_in_dim3A_17, %add3A_1239 : vector<8x4096xf32>
    %slice3A_1241 = vector.extract_strided_slice %dot_general3A_7 {offsets = [888, 0], sizes = [8, 4096], strides = [1, 1]} : vector<1024x4096xf32> to vector<8x4096xf32>
    %add3A_1242 = arith.addf %add3A_1240, %slice3A_1241 : vector<8x4096xf32>
    %lt3A_1243 = arith.cmpf olt, %add3A_1242, %min3A_1237 : vector<8x4096xf32>
    %slice3A_1244 = vector.extract_strided_slice %get3A_13 {offsets = [888, 0], sizes = [8, 1], strides = [1, 1]} : vector<1024x1xf32> to vector<8x1xf32>
    %broadcast_in_dim3A_1245 = vector.shape_cast %slice3A_1244 : vector<8x1xf32> to vector<8x1xf32>
    %broadcast_in_dim3A_1246 = vector.broadcast %broadcast_in_dim3A_1245 : vector<8x1xf32> to vector<8x4096xf32>
    %select_n3A_1247 = arith.select %lt3A_1243, %broadcast_in_dim3A_1246, %select_n3A_1236 : vector<8x4096xi1>, vector<8x4096xf32>
    %min3A_1248 = arith.minimumf %min3A_1237, %add3A_1242 : vector<8x4096xf32>
    %slice3A_1249 = vector.extract_strided_slice %get3A_10 {offsets = [896, 0], sizes = [8, 1], strides = [1, 1]} : vector<1024x1xf32> to vector<8x1xf32>
    %add3A_1250 = vector.broadcast %slice3A_1249 : vector<8x1xf32> to vector<8x4096xf32>
    %add3A_1251 = arith.addf %broadcast_in_dim3A_17, %add3A_1250 : vector<8x4096xf32>
    %slice3A_1252 = vector.extract_strided_slice %dot_general3A_7 {offsets = [896, 0], sizes = [8, 4096], strides = [1, 1]} : vector<1024x4096xf32> to vector<8x4096xf32>
    %add3A_1253 = arith.addf %add3A_1251, %slice3A_1252 : vector<8x4096xf32>
    %lt3A_1254 = arith.cmpf olt, %add3A_1253, %min3A_1248 : vector<8x4096xf32>
    %slice3A_1255 = vector.extract_strided_slice %get3A_13 {offsets = [896, 0], sizes = [8, 1], strides = [1, 1]} : vector<1024x1xf32> to vector<8x1xf32>
    %broadcast_in_dim3A_1256 = vector.shape_cast %slice3A_1255 : vector<8x1xf32> to vector<8x1xf32>
    %broadcast_in_dim3A_1257 = vector.broadcast %broadcast_in_dim3A_1256 : vector<8x1xf32> to vector<8x4096xf32>
    %select_n3A_1258 = arith.select %lt3A_1254, %broadcast_in_dim3A_1257, %select_n3A_1247 : vector<8x4096xi1>, vector<8x4096xf32>
    %min3A_1259 = arith.minimumf %min3A_1248, %add3A_1253 : vector<8x4096xf32>
    %slice3A_1260 = vector.extract_strided_slice %get3A_10 {offsets = [904, 0], sizes = [8, 1], strides = [1, 1]} : vector<1024x1xf32> to vector<8x1xf32>
    %add3A_1261 = vector.broadcast %slice3A_1260 : vector<8x1xf32> to vector<8x4096xf32>
    %add3A_1262 = arith.addf %broadcast_in_dim3A_17, %add3A_1261 : vector<8x4096xf32>
    %slice3A_1263 = vector.extract_strided_slice %dot_general3A_7 {offsets = [904, 0], sizes = [8, 4096], strides = [1, 1]} : vector<1024x4096xf32> to vector<8x4096xf32>
    %add3A_1264 = arith.addf %add3A_1262, %slice3A_1263 : vector<8x4096xf32>
    %lt3A_1265 = arith.cmpf olt, %add3A_1264, %min3A_1259 : vector<8x4096xf32>
    %slice3A_1266 = vector.extract_strided_slice %get3A_13 {offsets = [904, 0], sizes = [8, 1], strides = [1, 1]} : vector<1024x1xf32> to vector<8x1xf32>
    %broadcast_in_dim3A_1267 = vector.shape_cast %slice3A_1266 : vector<8x1xf32> to vector<8x1xf32>
    %broadcast_in_dim3A_1268 = vector.broadcast %broadcast_in_dim3A_1267 : vector<8x1xf32> to vector<8x4096xf32>
    %select_n3A_1269 = arith.select %lt3A_1265, %broadcast_in_dim3A_1268, %select_n3A_1258 : vector<8x4096xi1>, vector<8x4096xf32>
    %min3A_1270 = arith.minimumf %min3A_1259, %add3A_1264 : vector<8x4096xf32>
    %slice3A_1271 = vector.extract_strided_slice %get3A_10 {offsets = [912, 0], sizes = [8, 1], strides = [1, 1]} : vector<1024x1xf32> to vector<8x1xf32>
    %add3A_1272 = vector.broadcast %slice3A_1271 : vector<8x1xf32> to vector<8x4096xf32>
    %add3A_1273 = arith.addf %broadcast_in_dim3A_17, %add3A_1272 : vector<8x4096xf32>
    %slice3A_1274 = vector.extract_strided_slice %dot_general3A_7 {offsets = [912, 0], sizes = [8, 4096], strides = [1, 1]} : vector<1024x4096xf32> to vector<8x4096xf32>
    %add3A_1275 = arith.addf %add3A_1273, %slice3A_1274 : vector<8x4096xf32>
    %lt3A_1276 = arith.cmpf olt, %add3A_1275, %min3A_1270 : vector<8x4096xf32>
    %slice3A_1277 = vector.extract_strided_slice %get3A_13 {offsets = [912, 0], sizes = [8, 1], strides = [1, 1]} : vector<1024x1xf32> to vector<8x1xf32>
    %broadcast_in_dim3A_1278 = vector.shape_cast %slice3A_1277 : vector<8x1xf32> to vector<8x1xf32>
    %broadcast_in_dim3A_1279 = vector.broadcast %broadcast_in_dim3A_1278 : vector<8x1xf32> to vector<8x4096xf32>
    %select_n3A_1280 = arith.select %lt3A_1276, %broadcast_in_dim3A_1279, %select_n3A_1269 : vector<8x4096xi1>, vector<8x4096xf32>
    %min3A_1281 = arith.minimumf %min3A_1270, %add3A_1275 : vector<8x4096xf32>
    %slice3A_1282 = vector.extract_strided_slice %get3A_10 {offsets = [920, 0], sizes = [8, 1], strides = [1, 1]} : vector<1024x1xf32> to vector<8x1xf32>
    %add3A_1283 = vector.broadcast %slice3A_1282 : vector<8x1xf32> to vector<8x4096xf32>
    %add3A_1284 = arith.addf %broadcast_in_dim3A_17, %add3A_1283 : vector<8x4096xf32>
    %slice3A_1285 = vector.extract_strided_slice %dot_general3A_7 {offsets = [920, 0], sizes = [8, 4096], strides = [1, 1]} : vector<1024x4096xf32> to vector<8x4096xf32>
    %add3A_1286 = arith.addf %add3A_1284, %slice3A_1285 : vector<8x4096xf32>
    %lt3A_1287 = arith.cmpf olt, %add3A_1286, %min3A_1281 : vector<8x4096xf32>
    %slice3A_1288 = vector.extract_strided_slice %get3A_13 {offsets = [920, 0], sizes = [8, 1], strides = [1, 1]} : vector<1024x1xf32> to vector<8x1xf32>
    %broadcast_in_dim3A_1289 = vector.shape_cast %slice3A_1288 : vector<8x1xf32> to vector<8x1xf32>
    %broadcast_in_dim3A_1290 = vector.broadcast %broadcast_in_dim3A_1289 : vector<8x1xf32> to vector<8x4096xf32>
    %select_n3A_1291 = arith.select %lt3A_1287, %broadcast_in_dim3A_1290, %select_n3A_1280 : vector<8x4096xi1>, vector<8x4096xf32>
    %min3A_1292 = arith.minimumf %min3A_1281, %add3A_1286 : vector<8x4096xf32>
    %slice3A_1293 = vector.extract_strided_slice %get3A_10 {offsets = [928, 0], sizes = [8, 1], strides = [1, 1]} : vector<1024x1xf32> to vector<8x1xf32>
    %add3A_1294 = vector.broadcast %slice3A_1293 : vector<8x1xf32> to vector<8x4096xf32>
    %add3A_1295 = arith.addf %broadcast_in_dim3A_17, %add3A_1294 : vector<8x4096xf32>
    %slice3A_1296 = vector.extract_strided_slice %dot_general3A_7 {offsets = [928, 0], sizes = [8, 4096], strides = [1, 1]} : vector<1024x4096xf32> to vector<8x4096xf32>
    %add3A_1297 = arith.addf %add3A_1295, %slice3A_1296 : vector<8x4096xf32>
    %lt3A_1298 = arith.cmpf olt, %add3A_1297, %min3A_1292 : vector<8x4096xf32>
    %slice3A_1299 = vector.extract_strided_slice %get3A_13 {offsets = [928, 0], sizes = [8, 1], strides = [1, 1]} : vector<1024x1xf32> to vector<8x1xf32>
    %broadcast_in_dim3A_1300 = vector.shape_cast %slice3A_1299 : vector<8x1xf32> to vector<8x1xf32>
    %broadcast_in_dim3A_1301 = vector.broadcast %broadcast_in_dim3A_1300 : vector<8x1xf32> to vector<8x4096xf32>
    %select_n3A_1302 = arith.select %lt3A_1298, %broadcast_in_dim3A_1301, %select_n3A_1291 : vector<8x4096xi1>, vector<8x4096xf32>
    %min3A_1303 = arith.minimumf %min3A_1292, %add3A_1297 : vector<8x4096xf32>
    %slice3A_1304 = vector.extract_strided_slice %get3A_10 {offsets = [936, 0], sizes = [8, 1], strides = [1, 1]} : vector<1024x1xf32> to vector<8x1xf32>
    %add3A_1305 = vector.broadcast %slice3A_1304 : vector<8x1xf32> to vector<8x4096xf32>
    %add3A_1306 = arith.addf %broadcast_in_dim3A_17, %add3A_1305 : vector<8x4096xf32>
    %slice3A_1307 = vector.extract_strided_slice %dot_general3A_7 {offsets = [936, 0], sizes = [8, 4096], strides = [1, 1]} : vector<1024x4096xf32> to vector<8x4096xf32>
    %add3A_1308 = arith.addf %add3A_1306, %slice3A_1307 : vector<8x4096xf32>
    %lt3A_1309 = arith.cmpf olt, %add3A_1308, %min3A_1303 : vector<8x4096xf32>
    %slice3A_1310 = vector.extract_strided_slice %get3A_13 {offsets = [936, 0], sizes = [8, 1], strides = [1, 1]} : vector<1024x1xf32> to vector<8x1xf32>
    %broadcast_in_dim3A_1311 = vector.shape_cast %slice3A_1310 : vector<8x1xf32> to vector<8x1xf32>
    %broadcast_in_dim3A_1312 = vector.broadcast %broadcast_in_dim3A_1311 : vector<8x1xf32> to vector<8x4096xf32>
    %select_n3A_1313 = arith.select %lt3A_1309, %broadcast_in_dim3A_1312, %select_n3A_1302 : vector<8x4096xi1>, vector<8x4096xf32>
    %min3A_1314 = arith.minimumf %min3A_1303, %add3A_1308 : vector<8x4096xf32>
    %slice3A_1315 = vector.extract_strided_slice %get3A_10 {offsets = [944, 0], sizes = [8, 1], strides = [1, 1]} : vector<1024x1xf32> to vector<8x1xf32>
    %add3A_1316 = vector.broadcast %slice3A_1315 : vector<8x1xf32> to vector<8x4096xf32>
    %add3A_1317 = arith.addf %broadcast_in_dim3A_17, %add3A_1316 : vector<8x4096xf32>
    %slice3A_1318 = vector.extract_strided_slice %dot_general3A_7 {offsets = [944, 0], sizes = [8, 4096], strides = [1, 1]} : vector<1024x4096xf32> to vector<8x4096xf32>
    %add3A_1319 = arith.addf %add3A_1317, %slice3A_1318 : vector<8x4096xf32>
    %lt3A_1320 = arith.cmpf olt, %add3A_1319, %min3A_1314 : vector<8x4096xf32>
    %slice3A_1321 = vector.extract_strided_slice %get3A_13 {offsets = [944, 0], sizes = [8, 1], strides = [1, 1]} : vector<1024x1xf32> to vector<8x1xf32>
    %broadcast_in_dim3A_1322 = vector.shape_cast %slice3A_1321 : vector<8x1xf32> to vector<8x1xf32>
    %broadcast_in_dim3A_1323 = vector.broadcast %broadcast_in_dim3A_1322 : vector<8x1xf32> to vector<8x4096xf32>
    %select_n3A_1324 = arith.select %lt3A_1320, %broadcast_in_dim3A_1323, %select_n3A_1313 : vector<8x4096xi1>, vector<8x4096xf32>
    %min3A_1325 = arith.minimumf %min3A_1314, %add3A_1319 : vector<8x4096xf32>
    %slice3A_1326 = vector.extract_strided_slice %get3A_10 {offsets = [952, 0], sizes = [8, 1], strides = [1, 1]} : vector<1024x1xf32> to vector<8x1xf32>
    %add3A_1327 = vector.broadcast %slice3A_1326 : vector<8x1xf32> to vector<8x4096xf32>
    %add3A_1328 = arith.addf %broadcast_in_dim3A_17, %add3A_1327 : vector<8x4096xf32>
    %slice3A_1329 = vector.extract_strided_slice %dot_general3A_7 {offsets = [952, 0], sizes = [8, 4096], strides = [1, 1]} : vector<1024x4096xf32> to vector<8x4096xf32>
    %add3A_1330 = arith.addf %add3A_1328, %slice3A_1329 : vector<8x4096xf32>
    %lt3A_1331 = arith.cmpf olt, %add3A_1330, %min3A_1325 : vector<8x4096xf32>
    %slice3A_1332 = vector.extract_strided_slice %get3A_13 {offsets = [952, 0], sizes = [8, 1], strides = [1, 1]} : vector<1024x1xf32> to vector<8x1xf32>
    %broadcast_in_dim3A_1333 = vector.shape_cast %slice3A_1332 : vector<8x1xf32> to vector<8x1xf32>
    %broadcast_in_dim3A_1334 = vector.broadcast %broadcast_in_dim3A_1333 : vector<8x1xf32> to vector<8x4096xf32>
    %select_n3A_1335 = arith.select %lt3A_1331, %broadcast_in_dim3A_1334, %select_n3A_1324 : vector<8x4096xi1>, vector<8x4096xf32>
    %min3A_1336 = arith.minimumf %min3A_1325, %add3A_1330 : vector<8x4096xf32>
    %slice3A_1337 = vector.extract_strided_slice %get3A_10 {offsets = [960, 0], sizes = [8, 1], strides = [1, 1]} : vector<1024x1xf32> to vector<8x1xf32>
    %add3A_1338 = vector.broadcast %slice3A_1337 : vector<8x1xf32> to vector<8x4096xf32>
    %add3A_1339 = arith.addf %broadcast_in_dim3A_17, %add3A_1338 : vector<8x4096xf32>
    %slice3A_1340 = vector.extract_strided_slice %dot_general3A_7 {offsets = [960, 0], sizes = [8, 4096], strides = [1, 1]} : vector<1024x4096xf32> to vector<8x4096xf32>
    %add3A_1341 = arith.addf %add3A_1339, %slice3A_1340 : vector<8x4096xf32>
    %lt3A_1342 = arith.cmpf olt, %add3A_1341, %min3A_1336 : vector<8x4096xf32>
    %slice3A_1343 = vector.extract_strided_slice %get3A_13 {offsets = [960, 0], sizes = [8, 1], strides = [1, 1]} : vector<1024x1xf32> to vector<8x1xf32>
    %broadcast_in_dim3A_1344 = vector.shape_cast %slice3A_1343 : vector<8x1xf32> to vector<8x1xf32>
    %broadcast_in_dim3A_1345 = vector.broadcast %broadcast_in_dim3A_1344 : vector<8x1xf32> to vector<8x4096xf32>
    %select_n3A_1346 = arith.select %lt3A_1342, %broadcast_in_dim3A_1345, %select_n3A_1335 : vector<8x4096xi1>, vector<8x4096xf32>
    %min3A_1347 = arith.minimumf %min3A_1336, %add3A_1341 : vector<8x4096xf32>
    %slice3A_1348 = vector.extract_strided_slice %get3A_10 {offsets = [968, 0], sizes = [8, 1], strides = [1, 1]} : vector<1024x1xf32> to vector<8x1xf32>
    %add3A_1349 = vector.broadcast %slice3A_1348 : vector<8x1xf32> to vector<8x4096xf32>
    %add3A_1350 = arith.addf %broadcast_in_dim3A_17, %add3A_1349 : vector<8x4096xf32>
    %slice3A_1351 = vector.extract_strided_slice %dot_general3A_7 {offsets = [968, 0], sizes = [8, 4096], strides = [1, 1]} : vector<1024x4096xf32> to vector<8x4096xf32>
    %add3A_1352 = arith.addf %add3A_1350, %slice3A_1351 : vector<8x4096xf32>
    %lt3A_1353 = arith.cmpf olt, %add3A_1352, %min3A_1347 : vector<8x4096xf32>
    %slice3A_1354 = vector.extract_strided_slice %get3A_13 {offsets = [968, 0], sizes = [8, 1], strides = [1, 1]} : vector<1024x1xf32> to vector<8x1xf32>
    %broadcast_in_dim3A_1355 = vector.shape_cast %slice3A_1354 : vector<8x1xf32> to vector<8x1xf32>
    %broadcast_in_dim3A_1356 = vector.broadcast %broadcast_in_dim3A_1355 : vector<8x1xf32> to vector<8x4096xf32>
    %select_n3A_1357 = arith.select %lt3A_1353, %broadcast_in_dim3A_1356, %select_n3A_1346 : vector<8x4096xi1>, vector<8x4096xf32>
    %min3A_1358 = arith.minimumf %min3A_1347, %add3A_1352 : vector<8x4096xf32>
    %slice3A_1359 = vector.extract_strided_slice %get3A_10 {offsets = [976, 0], sizes = [8, 1], strides = [1, 1]} : vector<1024x1xf32> to vector<8x1xf32>
    %add3A_1360 = vector.broadcast %slice3A_1359 : vector<8x1xf32> to vector<8x4096xf32>
    %add3A_1361 = arith.addf %broadcast_in_dim3A_17, %add3A_1360 : vector<8x4096xf32>
    %slice3A_1362 = vector.extract_strided_slice %dot_general3A_7 {offsets = [976, 0], sizes = [8, 4096], strides = [1, 1]} : vector<1024x4096xf32> to vector<8x4096xf32>
    %add3A_1363 = arith.addf %add3A_1361, %slice3A_1362 : vector<8x4096xf32>
    %lt3A_1364 = arith.cmpf olt, %add3A_1363, %min3A_1358 : vector<8x4096xf32>
    %slice3A_1365 = vector.extract_strided_slice %get3A_13 {offsets = [976, 0], sizes = [8, 1], strides = [1, 1]} : vector<1024x1xf32> to vector<8x1xf32>
    %broadcast_in_dim3A_1366 = vector.shape_cast %slice3A_1365 : vector<8x1xf32> to vector<8x1xf32>
    %broadcast_in_dim3A_1367 = vector.broadcast %broadcast_in_dim3A_1366 : vector<8x1xf32> to vector<8x4096xf32>
    %select_n3A_1368 = arith.select %lt3A_1364, %broadcast_in_dim3A_1367, %select_n3A_1357 : vector<8x4096xi1>, vector<8x4096xf32>
    %min3A_1369 = arith.minimumf %min3A_1358, %add3A_1363 : vector<8x4096xf32>
    %slice3A_1370 = vector.extract_strided_slice %get3A_10 {offsets = [984, 0], sizes = [8, 1], strides = [1, 1]} : vector<1024x1xf32> to vector<8x1xf32>
    %add3A_1371 = vector.broadcast %slice3A_1370 : vector<8x1xf32> to vector<8x4096xf32>
    %add3A_1372 = arith.addf %broadcast_in_dim3A_17, %add3A_1371 : vector<8x4096xf32>
    %slice3A_1373 = vector.extract_strided_slice %dot_general3A_7 {offsets = [984, 0], sizes = [8, 4096], strides = [1, 1]} : vector<1024x4096xf32> to vector<8x4096xf32>
    %add3A_1374 = arith.addf %add3A_1372, %slice3A_1373 : vector<8x4096xf32>
    %lt3A_1375 = arith.cmpf olt, %add3A_1374, %min3A_1369 : vector<8x4096xf32>
    %slice3A_1376 = vector.extract_strided_slice %get3A_13 {offsets = [984, 0], sizes = [8, 1], strides = [1, 1]} : vector<1024x1xf32> to vector<8x1xf32>
    %broadcast_in_dim3A_1377 = vector.shape_cast %slice3A_1376 : vector<8x1xf32> to vector<8x1xf32>
    %broadcast_in_dim3A_1378 = vector.broadcast %broadcast_in_dim3A_1377 : vector<8x1xf32> to vector<8x4096xf32>
    %select_n3A_1379 = arith.select %lt3A_1375, %broadcast_in_dim3A_1378, %select_n3A_1368 : vector<8x4096xi1>, vector<8x4096xf32>
    %min3A_1380 = arith.minimumf %min3A_1369, %add3A_1374 : vector<8x4096xf32>
    %slice3A_1381 = vector.extract_strided_slice %get3A_10 {offsets = [992, 0], sizes = [8, 1], strides = [1, 1]} : vector<1024x1xf32> to vector<8x1xf32>
    %add3A_1382 = vector.broadcast %slice3A_1381 : vector<8x1xf32> to vector<8x4096xf32>
    %add3A_1383 = arith.addf %broadcast_in_dim3A_17, %add3A_1382 : vector<8x4096xf32>
    %slice3A_1384 = vector.extract_strided_slice %dot_general3A_7 {offsets = [992, 0], sizes = [8, 4096], strides = [1, 1]} : vector<1024x4096xf32> to vector<8x4096xf32>
    %add3A_1385 = arith.addf %add3A_1383, %slice3A_1384 : vector<8x4096xf32>
    %lt3A_1386 = arith.cmpf olt, %add3A_1385, %min3A_1380 : vector<8x4096xf32>
    %slice3A_1387 = vector.extract_strided_slice %get3A_13 {offsets = [992, 0], sizes = [8, 1], strides = [1, 1]} : vector<1024x1xf32> to vector<8x1xf32>
    %broadcast_in_dim3A_1388 = vector.shape_cast %slice3A_1387 : vector<8x1xf32> to vector<8x1xf32>
    %broadcast_in_dim3A_1389 = vector.broadcast %broadcast_in_dim3A_1388 : vector<8x1xf32> to vector<8x4096xf32>
    %select_n3A_1390 = arith.select %lt3A_1386, %broadcast_in_dim3A_1389, %select_n3A_1379 : vector<8x4096xi1>, vector<8x4096xf32>
    %min3A_1391 = arith.minimumf %min3A_1380, %add3A_1385 : vector<8x4096xf32>
    %slice3A_1392 = vector.extract_strided_slice %get3A_10 {offsets = [1000, 0], sizes = [8, 1], strides = [1, 1]} : vector<1024x1xf32> to vector<8x1xf32>
    %add3A_1393 = vector.broadcast %slice3A_1392 : vector<8x1xf32> to vector<8x4096xf32>
    %add3A_1394 = arith.addf %broadcast_in_dim3A_17, %add3A_1393 : vector<8x4096xf32>
    %slice3A_1395 = vector.extract_strided_slice %dot_general3A_7 {offsets = [1000, 0], sizes = [8, 4096], strides = [1, 1]} : vector<1024x4096xf32> to vector<8x4096xf32>
    %add3A_1396 = arith.addf %add3A_1394, %slice3A_1395 : vector<8x4096xf32>
    %lt3A_1397 = arith.cmpf olt, %add3A_1396, %min3A_1391 : vector<8x4096xf32>
    %slice3A_1398 = vector.extract_strided_slice %get3A_13 {offsets = [1000, 0], sizes = [8, 1], strides = [1, 1]} : vector<1024x1xf32> to vector<8x1xf32>
    %broadcast_in_dim3A_1399 = vector.shape_cast %slice3A_1398 : vector<8x1xf32> to vector<8x1xf32>
    %broadcast_in_dim3A_1400 = vector.broadcast %broadcast_in_dim3A_1399 : vector<8x1xf32> to vector<8x4096xf32>
    %select_n3A_1401 = arith.select %lt3A_1397, %broadcast_in_dim3A_1400, %select_n3A_1390 : vector<8x4096xi1>, vector<8x4096xf32>
    %min3A_1402 = arith.minimumf %min3A_1391, %add3A_1396 : vector<8x4096xf32>
    %slice3A_1403 = vector.extract_strided_slice %get3A_10 {offsets = [1008, 0], sizes = [8, 1], strides = [1, 1]} : vector<1024x1xf32> to vector<8x1xf32>
    %add3A_1404 = vector.broadcast %slice3A_1403 : vector<8x1xf32> to vector<8x4096xf32>
    %add3A_1405 = arith.addf %broadcast_in_dim3A_17, %add3A_1404 : vector<8x4096xf32>
    %slice3A_1406 = vector.extract_strided_slice %dot_general3A_7 {offsets = [1008, 0], sizes = [8, 4096], strides = [1, 1]} : vector<1024x4096xf32> to vector<8x4096xf32>
    %add3A_1407 = arith.addf %add3A_1405, %slice3A_1406 : vector<8x4096xf32>
    %lt3A_1408 = arith.cmpf olt, %add3A_1407, %min3A_1402 : vector<8x4096xf32>
    %slice3A_1409 = vector.extract_strided_slice %get3A_13 {offsets = [1008, 0], sizes = [8, 1], strides = [1, 1]} : vector<1024x1xf32> to vector<8x1xf32>
    %broadcast_in_dim3A_1410 = vector.shape_cast %slice3A_1409 : vector<8x1xf32> to vector<8x1xf32>
    %broadcast_in_dim3A_1411 = vector.broadcast %broadcast_in_dim3A_1410 : vector<8x1xf32> to vector<8x4096xf32>
    %select_n3A_1412 = arith.select %lt3A_1408, %broadcast_in_dim3A_1411, %select_n3A_1401 : vector<8x4096xi1>, vector<8x4096xf32>
    %min3A_1413 = arith.minimumf %min3A_1402, %add3A_1407 : vector<8x4096xf32>
    %slice3A_1414 = vector.extract_strided_slice %get3A_10 {offsets = [1016, 0], sizes = [8, 1], strides = [1, 1]} : vector<1024x1xf32> to vector<8x1xf32>
    %add3A_1415 = vector.broadcast %slice3A_1414 : vector<8x1xf32> to vector<8x4096xf32>
    %add3A_1416 = arith.addf %broadcast_in_dim3A_17, %add3A_1415 : vector<8x4096xf32>
    %slice3A_1417 = vector.extract_strided_slice %dot_general3A_7 {offsets = [1016, 0], sizes = [8, 4096], strides = [1, 1]} : vector<1024x4096xf32> to vector<8x4096xf32>
    %add3A_1418 = arith.addf %add3A_1416, %slice3A_1417 : vector<8x4096xf32>
    %lt3A_1419 = arith.cmpf olt, %add3A_1418, %min3A_1413 : vector<8x4096xf32>
    %slice3A_1420 = vector.extract_strided_slice %get3A_13 {offsets = [1016, 0], sizes = [8, 1], strides = [1, 1]} : vector<1024x1xf32> to vector<8x1xf32>
    %broadcast_in_dim3A_1421 = vector.shape_cast %slice3A_1420 : vector<8x1xf32> to vector<8x1xf32>
    %broadcast_in_dim3A_1422 = vector.broadcast %broadcast_in_dim3A_1421 : vector<8x1xf32> to vector<8x4096xf32>
    %select_n3A_1423 = arith.select %lt3A_1419, %broadcast_in_dim3A_1422, %select_n3A_1412 : vector<8x4096xi1>, vector<8x4096xf32>
    %min3A_1424 = arith.minimumf %min3A_1413, %add3A_1418 : vector<8x4096xf32>
    %reduce_min3A = arith.constant dense<0x7F800000> : vector<4096xf32>
    %reduce_min3A_1425 = vector.multi_reduction <minimumf>, %min3A_1424, %reduce_min3A [0] : vector<8x4096xf32> to vector<4096xf32>
    %broadcast_in_dim3A_1426 = vector.shape_cast %reduce_min3A_1425 : vector<4096xf32> to vector<1x4096xf32>
    %eq3A = vector.broadcast %broadcast_in_dim3A_1426 : vector<1x4096xf32> to vector<8x4096xf32>
    %eq3A_1427 = arith.cmpf oeq, %min3A_1424, %eq3A : vector<8x4096xf32>
    %jit3A = arith.constant 1.024000e+03 : f32
    %broadcast_in_dim3A_1428 = vector.broadcast %jit3A : f32 to vector<8x4096xf32>
    %select_n3A_1429 = arith.select %eq3A_1427, %select_n3A_1423, %broadcast_in_dim3A_1428 : vector<8x4096xi1>, vector<8x4096xf32>
    %reduce_min3A_1430 = arith.constant dense<0x7F800000> : vector<4096xf32>
    %reduce_min3A_1431 = vector.multi_reduction <minimumf>, %select_n3A_1429, %reduce_min3A_1430 [0] : vector<8x4096xf32> to vector<4096xf32>
    %broadcast_in_dim3A_1432 = vector.shape_cast %reduce_min3A_1431 : vector<4096xf32> to vector<1x4096xf32>
    %convert_element_type3A_1433 = arith.fptosi %broadcast_in_dim3A_1432 : vector<1x4096xf32> to vector<1x4096xi32>
    %reshape3A = vector.shape_cast %convert_element_type3A_1433 : vector<1x4096xi32> to vector<32x128xi32>
    %swap3A = arith.constant 0 : index
    %swap3A_1434 = arith.constant 0 : index
    %swap3A_1435 = vector.load %arg6[%swap3A, %swap3A_1434] : memref<32x128xi32, #tpu.memory_space<vmem>>, vector<32x128xi32>
    tpu.vector_store %arg6[%swap3A, %swap3A_1434], %reshape3A {strides = array<i32>} : memref<32x128xi32, #tpu.memory_space<vmem>>, vector<32x128xi32>,
    return
  }
  func.func @transform_0(%arg0: i32) -> (i32, i32) {
    %c0_i32 = arith.constant 0 : i32
    %c0_i32_0 = arith.constant 0 : i32
    %c0_i32_1 = arith.constant 0 : i32
    return %c0_i32, %c0_i32_0 : i32, i32
  }
  func.func @transform_1(%arg0: i32) -> (i32, i32) {
    %c0_i32 = arith.constant 0 : i32
    %c0_i32_0 = arith.constant 0 : i32
    return %c0_i32, %arg0 : i32, i32
  }
  func.func @transform_2(%arg0: i32) -> (i32, i32) {
    %c0_i32 = arith.constant 0 : i32
    %c0_i32_0 = arith.constant 0 : i32
    %c0_i32_1 = arith.constant 0 : i32
    return %c0_i32, %c0_i32_0 : i32, i32
  }
  func.func @transform_3(%arg0: i32) -> (i32, i32) {
    %c0_i32 = arith.constant 0 : i32
    %c0_i32_0 = arith.constant 0 : i32
    %c0_i32_1 = arith.constant 0 : i32
    return %c0_i32, %c0_i32_0 : i32, i32
  }
  func.func @transform_4(%arg0: i32) -> (i32, i32) {
    %c0_i32 = arith.constant 0 : i32
    %c0_i32_0 = arith.constant 0 : i32
    return %arg0, %c0_i32 : i32, i32
  }
  func.func @transform_5(%arg0: i32) -> (i32, i32) {
    %c0_i32 = arith.constant 0 : i32
    %c0_i32_0 = arith.constant 0 : i32
    return %arg0, %c0_i32 : i32, i32
  }
}

</mosaic_0001>

<sc_bundles>
// kernel: kernel.4.cloned.1.call-start
scs
__scs_entry_jumppad:
0x0: {  	(pc) =	sbr.rel $0x88, $3  }
0x1: {  	(tag) =	ssettag $0x0;
	lr =	simm.s32 $0x1  }
0x2: {  	[smem:$0x3F9F] =	sst lr;
	_ =	strace $0xD0000000  }
0x3: {  	_ = 	snop  }
0x4: {  	_ = 	snop  }
0x5: {  	_ = 	snop  }
0x6: {  	_ = 	snop  }
0x7: {  	_ = 	snop  }
__scs_overlays_trampoline_lowered:
0x8: {  	[smem:$0x3FAE] =	sst s0  }
0x9: {  	[smem:$0x3FAF] =	sst s1  }
0xa: {  	[smem:$0x3FB0] =	sst s2  }
0xb: {  	[smem:$0x3FB1] =	sst s3  }
0xc: {  	[smem:$0x3FB2] =	sst s4  }
0xd: {  	[smem:$0x3FB3] =	sst s5  }
0xe: {  	[smem:$0x3FB4] =	sst s6  }
0xf: {  	[smem:$0x3FB5] =	sst s7  }
0x10: {  	[smem:$0x3FB6] =	sst s8  }
0x11: {  	[smem:$0x3FB7] =	sst s9;
	s0 =	simm.s32 @!p0 $0x0  }
0x12: {  	s1 =	sld [smem:$0x3F9D];
	s0 =	simm.s32 @p0 $0x1  }
0x13: {  	[smem:$0x3FB8] =	sst s0;
	s0 =	simm.s32 @!p1 $0x0  }
0x14: {  	s2 =	sld [smem:$0x3F9C];
	s0 =	simm.s32 @p1 $0x1  }
0x15: {  	[smem:$0x3FB9] =	sst s0;
	s0 =	simm.s32 @!p2 $0x0  }
0x16: {  	s3 =	sld [smem:$0x3FDB];
	s0 =	simm.s32 @p2 $0x1  }
0x17: {  	s4 =	simm.s32 $0x1BF5;
	[smem:$0x3FBB] =	sst s0  }
0x18: {  	s0 =	sld [smem:$0x3F9E];
	_ =	swait.ge [sflag:s4], $0x0  }
0x19: {  	s7 =	sld [smem:$0x3F9F]  }
0x1a: {  	s8 =	sadd.s32 $0xFFFFE003, lr  }
0x1b: {  	s9 =	sadd.s32 $0xFFFFFEF7, lr;
	s5 =	simm.s32 $0xFFFFFFFF;
	p2 =	slt.u32 s8, $0xFFFFF086  }
0x1c: {  	p1 =	slt.u32 s9, $0xF7A;
	s5 =	simm.s32 @!p2 $0x0  }
0x1d: {  	s5 =	simm.s32 @p1 $0x1;
	p0 =	seq.s32 s7, s2  }
0x1e: {  	s7 =	smul.u32 @!p0 $0xF7A, s2;
	p2 =	seq.s32 @!p0 s5, $0x0  }
0x1f: {  	s9 =	smul.u32 $0xF7A, s1;
	s8 =	simm.s32 @!p0 $0x1BF5;
	p2 =	por !p2, p0  }
0x20: {  	[sflag:s8] =	ssyncset.s32 @!p0 $0xFFFFF086;
	s6 =	sadd.s32 @!p0 s3, s7;
	s7 =	simm.s32 @!p0 $0x108  }
0x21: {  	s3 =	sadd.s32 s3, s9;
	s6 =	sadd.s32 @!p0 $0x88, s6;
	s7 =	simm.s32 @p2 $0x1082  }
0x22: {  	[simem:s7], [sflag:s8] =	dma.local @!p0 [hbm:s6], $0xF7A  }
0x23: {  	s9 =	sor.u32 $0xD0000000, s2;
	s6 =	simm.s32 $0x108;
	_ =	swait.ge @!p0 [sflag:s8], $0x0  }
0x24: {  	s3 =	sadd.s32 $0x88, s3;
	s6 =	simm.s32 @!p1 $0x1082;
	[sflag:s4] =	ssyncset.s32 $0xFFFFF086  }
0x25: {  	[simem:s6], [sflag:s4] =	dma.local [hbm:s3], $0xF7A  }
0x26: {  	[smem:$0x3F9F] =	sst s1;
	(tag) =	ssettag s2;
	_ =	strace s9  }
0x27: {  	s1 =	sld [smem:$0x3FAF]  }
0x28: {  	s2 =	sld [smem:$0x3FB0]  }
0x29: {  	s4 =	sld [smem:$0x3FB2]  }
0x2a: {  	p0 =	seq.s32 s5, $0x0;
	s5 =	sld [smem:$0x3FB3]  }
0x2b: {  	s6 =	sld [smem:$0x3FB4]  }
0x2c: {  	s7 =	sld [smem:$0x3FB5]  }
0x2d: {  	s3 =	simm.s32 $0x108;
	s8 =	sld [smem:$0x3FB6]  }
0x2e: {  	s3 =	simm.s32 @!p0 $0x1082;
	s9 =	sld [smem:$0x3FB7]  }
0x2f: {  	lr =	sadd.s32 s0, s3;
	s0 =	sld [smem:$0x3FAE]  }
0x30: {  	s3 =	sld [smem:$0x3FB1]  }
0x31: {  	[smem:$0x3FBA] =	sst s10  }
0x32: {  	s10 =	sld [smem:$0x3FB8];
	_ =	sdelay $0x3  }
0x33: {  	p0 =	seq.s32 s10, $0x1;
	s10 =	sld [smem:$0x3FBA];
	_ =	sdelay $0x3  }
0x34: {  	[smem:$0x3FBA] =	sst s10  }
0x35: {  	s10 =	sld [smem:$0x3FB9];
	_ =	sdelay $0x3  }
0x36: {  	p1 =	seq.s32 s10, $0x1;
	s10 =	sld [smem:$0x3FBA];
	_ =	sdelay $0x3  }
0x37: {  	[smem:$0x3FBA] =	sst s10  }
0x38: {  	s10 =	sld [smem:$0x3FBB]  }
0x39: {  	_ = 	snop;
	(pc) =	sbr.ind lr, $3  }
0x3a: {  	_ = 	snop  }
0x3b: {  	_ = 	snop  }
0x3c: {  	p2 =	seq.s32 s10, $0x1;
	s10 =	sld [smem:$0x3FBA]  }
0x3d: {  	_ =	shalt  }
0x3e: {  	_ =	shalt  }
0x3f: {  	_ =	shalt  }
0x40: {  	_ =	shalt  }
0x41: {  	_ =	shalt  }
0x42: {  	_ =	shalt  }
0x43: {  	_ =	shalt  }
0x44: {  	_ =	shalt  }
0x45: {  	_ =	shalt  }
0x46: {  	_ =	shalt  }
0x47: {  	_ =	shalt  }
0x48: {  	_ =	shalt  }
0x49: {  	_ =	shalt  }
0x4a: {  	_ =	shalt  }
0x4b: {  	_ =	shalt  }
0x4c: {  	_ =	shalt  }
0x4d: {  	_ =	shalt  }
0x4e: {  	_ =	shalt  }
0x4f: {  	_ =	shalt  }
0x50: {  	_ =	shalt  }
0x51: {  	_ =	shalt  }
0x52: {  	_ =	shalt  }
0x53: {  	_ =	shalt  }
0x54: {  	_ =	shalt  }
0x55: {  	_ =	shalt  }
0x56: {  	_ =	shalt  }
0x57: {  	_ =	shalt  }
0x58: {  	_ =	shalt  }
0x59: {  	_ =	shalt  }
0x5a: {  	_ =	shalt  }
0x5b: {  	_ =	shalt  }
0x5c: {  	_ =	shalt  }
0x5d: {  	_ =	shalt  }
0x5e: {  	_ =	shalt  }
0x5f: {  	_ =	shalt  }
0x60: {  	_ =	shalt  }
0x61: {  	_ =	shalt  }
0x62: {  	_ =	shalt  }
0x63: {  	_ =	shalt  }
0x64: {  	_ =	shalt  }
0x65: {  	_ =	shalt  }
0x66: {  	_ =	shalt  }
0x67: {  	_ =	shalt  }
0x68: {  	_ =	shalt  }
0x69: {  	_ =	shalt  }
0x6a: {  	_ =	shalt  }
0x6b: {  	_ =	shalt  }
0x6c: {  	_ =	shalt  }
0x6d: {  	_ =	shalt  }
0x6e: {  	_ =	shalt  }
0x6f: {  	_ =	shalt  }
0x70: {  	_ =	shalt  }
0x71: {  	_ =	shalt  }
0x72: {  	_ =	shalt  }
0x73: {  	_ =	shalt  }
0x74: {  	_ =	shalt  }
0x75: {  	_ =	shalt  }
0x76: {  	_ =	shalt  }
0x77: {  	_ =	shalt  }
0x78: {  	_ =	shalt  }
0x79: {  	_ =	shalt  }
0x7a: {  	_ =	shalt  }
0x7b: {  	_ =	shalt  }
0x7c: {  	_ =	shalt  }
0x7d: {  	_ =	shalt  }
0x7e: {  	_ =	shalt  }
0x7f: {  	_ =	shalt  }
0x80: {  	_ =	shalt  }
0x81: {  	_ =	shalt  }
0x82: {  	_ =	shalt  }
0x83: {  	_ =	shalt  }
0x84: {  	_ =	shalt  }
0x85: {  	_ =	shalt  }
0x86: {  	_ =	shalt  }
0x87: {  	_ =	shalt  }
.Lfunc_end0:
.L_simem_size_0:
called_computation_lowered:
.L_overlay_start_0:
0x88: {  	s2 =	sld [smem:$0x3FD9]  }
0x89: {  	s3 =	sld [smem:$0x3FFE];
	_ =	sdelay $0x1  }
0x8a: {  	s1 =	srdreg.scid  }
0x8b: {  	s0 =	sand.u32 $0x1, s1  }
0x8c: {  	s17 =	sshll.u32 s0, $0xA;
	s2 =	sadd.s32 s3, s2  }
0x8d: {  	s2 =	sadd.s32 s2, s17  }
0x8e: {  	[smem:$0x3FC6] =	sst s2  }
0x8f: {  	_ = 	snop  }
0x90: {  	s2 =	sld [smem:$0x3FD0];
	(tm) =	ssettm $0x1  }
0x91: {  	s18 =	sld [smem:$0x3FFB];
	_ =	sdelay $0x3  }
0x92: {  	_ =	strace s18  }
0x93: {  	s3 =	sld [smem:$0x3FFC];
	_ =	sdelay $0x3  }
0x94: {  	_ =	strace s3  }
0x95: {  	s3 =	sld [smem:$0x3FFD];
	_ =	sdelay $0x3  }
0x96: {  	_ =	strace s3  }
0x97: {  	_ =	strace $0x8FFFFFFF  }
0x98: {  	s19 =	sld [smem:$0x3FDB];
	_ =	sdelay $0x1  }
0x99: {  	s4 =	simm.s32 $_scs_section_size  }
0x9a: {  	s5 =	simm.s32 $_size__tile_overlayer_lowered;
	s6 =	simm.s32 $_tile_overlayer_lowered  }
0x9b: {  	s22 =	simm.s32 $0x1BFF;
	s21 =	sshll.u32 s6, $0x1;
	s3 =	sadd.s32 s4, s19  }
0x9c: {  	s7 =	simm.s32 $0x0;
	s20 =	sshll.u32 s5, $0x1;
	s5 =	sadd.s32 s21, s3  }
0x9d: {  	[timem:s7], [sflag:s22] =	dma.local [hbm:s5], s20  }
0x9e: {  	_ =	swait.ge [sflag:s22], s20  }
0x9f: {  	s4 =	ssub.s32 $0x0, s20;
	[sflag:s22] =	ssyncset.done $0x0  }
0xa0: {  	[sflag:s22] =	ssyncadd.s32 s4;
	_ =	sdelay $0x1  }
0xa1: {  	s23 =	simm.s32 $0x1B8B  }
0xa2: {  	_ =	swait.ge [sflag:s23], $0x1  }
0xa3: {  	[sflag:s23] =	ssyncset.done $0x0  }
0xa4: {  	s25 =	simm.s32 $0x1B8E;
	s24 =	sld [smem:$0x3FFE];
	[sflag:s23] =	ssyncadd.s32 $0xFFFFFFFF  }
0xa5: {  	s26 =	simm.s32 $execute0_lowered;
	[smem:$0x3FD2] =	sst s25  }
0xa6: {  	s5 =	sshll.u32 s26, $0x1;
	_ =	strace $0x80000046;
	[dreg:$0x1] =	wrdreg $0xFFFFFFFF  }
0xa7: {  	s28 =	simm.s32 $_size_execute0_lowered;
	s3 =	sadd.s32 s3, s5;
	[dreg:$0x0] =	wrdreg $0x0  }
0xa8: {  	s5 =	sshll.u32 s28, $0x1;
	[dreg:$0x2] =	wrdreg s3  }
0xa9: {  	[dreg:$0x3] =	wrdreg s5  }
0xaa: {  	[dreg:$0x4] =	wrdreg $0xC0  }
0xab: {  	_ =	task [dreg:s7], $0x5FFFF  }
0xac: {  	[dreg:$0x1] =	wrdreg $0xFFFFFFFF  }
0xad: {  	[dreg:$0x0] =	wrdreg $0x60  }
0xae: {  	[dreg:$0x2] =	wrdreg s24  }
0xaf: {  	[dreg:$0x3] =	wrdreg s2  }
0xb0: {  	[dreg:$0x4] =	wrdreg $0x9  }
0xb1: {  	_ =	task.clear_ibuf [dreg:s7], $0x5FFFF;
	_ =	strace $0x90000046  }
0xb2: {  	s29 =	simm.s32 $0x9;
	_ =	strace $0x80000048  }
0xb3: {  	_ =	swait.ge [sflag:s29], $0x1  }
0xb4: {  	[sflag:s29] =	ssyncadd.s32 $0xFFFFFFFF  }
0xb5: {  	_ =	strace $0x90000048  }
0xb6: {  	_ =	sfence  }
0xb7: {  	s30 =	sld [smem:$0x0];
	_ =	sdelay $0x2  }
0xb8: {  	s31 =	sshll.u32 s1, $0xD;
	s1 =	sshrl.u32 s1, $0x2  }
0xb9: {  	s3 =	sand.u32 $0x4000, s31;
	s1 =	sadd.s32 s1, s30  }
0xba: {  	s0 =	sor.u32 s3, s0;
	s1 =	sshll.u32 s1, $0x11  }
0xbb: {  	s0 =	sor.u32 s1, s0  }
0xbc: {  	s0 =	sadd.s32 $0x8F2B, s0  }
0xbd: {  	[sflag:s0] =	ssyncadd.remote.s32 $0x1  }
0xbe: {  	_ =	sfence.sel $0xFFFF  }
0xbf: {  	[dreg:$0x0] =	wrdreg $0xFFFFFFFF;
	(pc) =	sbr.abs _section_cstart, $3  }
0xc0: {  	[dreg:$0x1] =	wrdreg $0xFFFFFFFF  }
0xc1: {  	_ =	task.clear_ibuf [dreg:s7], $0x2FFFF;
	_ =	strace $0x9FFFFFFF  }
0xc2: {  	(tm) =	ssettm $0x7FFFFFFF  }
0xc3: {  	_ =	shalt  }
tec
execute0_lowered:
.L_overlay_start_1:
0x0: {  	(tag) =	ssettag $0x1  }
0x1: {  	s1 =	srdreg.scid  }
0x2: {  	s0 =	stileid.u32;
	s6 =	sand.u32 $0x1, s1  }
0x3: {  	s2 =	rddreg [dreg:$0x0];
	s30 =	sshll.u32 s0, $0xC;
	s3 =	sshll.u32 s6, $0xB  }
0x4: {  	s8 =	rddreg [dreg:$0x1];
	s9 =	sor.u32 s3, s30  }
0x5: {  	s1 =	rddreg [dreg:$0x2];
	s3 =	simm.s32 $0x0;
	s4 =	sshrl.u32 s9, $0x3  }
0x6: {  	s10 =	ssub.s32 $0x2, s6;
	[smem:$0x7FF] =	sst s3;
	s4 =	sadd.s32 s4, s2  }
0x7: {  	_ =	strace $0x80000047;
	s5 =	sadd.s32 $0x1000, s4;
	s4 =	simm.s32 $0x2  }
0x8: {  	[tilespmem:s3], [sflag:$0x2] =	stream.linear.gather [hbm4b:s5+s3], $0x800, $0x38;
	[tilespmem:$0x10800] =	vst v63  }
0x9: {  	s11 =	sshrl.u32 s10, $0x1;
	_ =	swait.ge [sflag:s4], $0x800  }
0xa: {  	s7 =	simm.s32 $0x1;
	s10 =	ssub.s32 s10, s11;
	[sflag:s4] =	ssyncset.done $0x0  }
0xb: {  	s6 =	simm.s32 $0x800;
	s31 =	smax.u32 s10, $0x1;
	[sflag:s4] =	ssyncadd.s32 $0xFFFFF800  }
0xc: {  	[tilespmem:s6], [sflag:$0x1] =	stream.indirect.gather [hbm4b:s2+s6], $0x20, s3, s6, $0xb8;
	[tilespmem:$0x10800] =	vst v63  }
0xd: {  	p0 =	sne.s32 s31, $0x1;
	_ =	swait.ge [sflag:s7], $0x10000  }
.Ltmp0:
0xe: {  	s9 =	sshll.u32 s9, $0x2;
	[sflag:s7] =	ssyncset.done $0x0;
	(pc) =	sbr.rel @!p0 .LBB2_2-.Ltmp0, $4  }
0xf: {  	s8 =	sadd.s32 s8, s9;
	[sflag:s7] =	ssyncadd.s32 $0xFFFF0000  }
0x10: {  	[hbm4b:s8+s3] =	stream.linear.scatter [tilespmem:s6], [sflag:$0x2], $0x10000, $0x38;
	[tilespmem:$0x10800] =	vst v63  }
0x11: {  	_ =	swait.ge [sflag:s4], $0x10000  }
0x12: {  	s9 =	sadd.s32 $0xFFFFFFFF, s31;
	[sflag:s4] =	ssyncset.done $0x0  }
.LBB2_1:
0x13: {  	p0 =	sne.s32 s9, $0x1;
	s9 =	sadd.s32 $0xFFFFFFFF, s9;
	[sflag:s4] =	ssyncadd.s32 $0xFFFF0000  }
0x14: {  	[tilespmem:s3], [sflag:$0x2] =	stream.linear.gather [hbm4b:s5+s3], $0x800, $0x38;
	[tilespmem:$0x10800] =	vst v63  }
0x15: {  	_ =	swait.ge [sflag:s4], $0x800  }
0x16: {  	[sflag:s4] =	ssyncset.done $0x0  }
0x17: {  	[sflag:s4] =	ssyncadd.s32 $0xFFFFF800  }
0x18: {  	[tilespmem:s6], [sflag:$0x1] =	stream.indirect.gather [hbm4b:s2+s6], $0x20, s3, s6, $0xb8;
	[tilespmem:$0x10800] =	vst v63  }
0x19: {  	_ =	swait.ge [sflag:s7], $0x10000  }
.Ltmp1:
0x1a: {  	[sflag:s7] =	ssyncset.done $0x0;
	(pc) =	sbr.rel @p0 .LBB2_1-.Ltmp1, $4  }
0x1b: {  	[sflag:s7] =	ssyncadd.s32 $0xFFFF0000  }
0x1c: {  	[hbm4b:s8+s3] =	stream.linear.scatter [tilespmem:s6], [sflag:$0x2], $0x10000, $0x38;
	[tilespmem:$0x10800] =	vst v63  }
0x1d: {  	_ =	swait.ge [sflag:s4], $0x10000  }
0x1e: {  	[sflag:s4] =	ssyncset.done $0x0  }
.LBB2_2:
0x1f: {  	[sflag:s4] =	ssyncadd.s32 $0xFFFF0000  }
0x20: {  	_ =	sfence.sel $0x180000  }
0x21: {  	[bflag:$0x0] =	sbarrier.arrive $0xFFFF  }
0x22: {  	p0 =	sne.s32 s0, $0x0;
	_ =	strace $0x90000047  }
0x23: {  	s0 =	sadd.s32 @!p0 $0x100000, s1;
	[bflag:$0x2] =	sbarrier.arrive $0xFFFF  }
0x24: {  	[sflag:s0] =	ssyncadd.tile.s32 @!p0 $0x1;
	_ =	shalt  }
.Lfunc_end2:
_tile_overlayer_lowered:
.L_overlay_start_2:
0x25: {  	(tag) =	ssettag $0x2  }
0x26: {  	s0 =	rddreg [dreg:$0x0];
	s2 =	stileid.u32  }
0x27: {  	s1 =	rddreg [dreg:$0x1];
	p0 =	sne.s32 s2, $0x0  }
0x28: {  	s3 =	rddreg [dreg:$0x2];
	[bflag:$0x3] =	sbarrier.arrive $0xFFFF;
	s2 =	simm.s32 @!p0 $0x1C02  }
0x29: {  	[timem:s3], [sflag:s2] =	dma.local @!p0 [hbm:s0], s1  }
0x2a: {  	s0 =	simm.s32 @!p0 $0x2  }
0x2b: {  	_ =	swait.ge @!p0 [sflag:s0], s1  }
0x2c: {  	s1 =	ssub.s32 @!p0 $0x0, s1;
	[sflag:s0] =	ssyncset.done @!p0 $0x0  }
0x2d: {  	[sflag:s0] =	ssyncadd.s32 @!p0 s1  }
0x2e: {  	[bflag:$0x3] =	sbarrier.arrive $0xFFFF  }
0x2f: {  	_ =	shalt  }

</sc_bundles>
